<compile_context>
chip_gen: v7x
topology: tpu7x:2x2x1
jax: 0.10.2.dev20260603
libtpu: 0.0.44.dev20260713+nightly
codegen_flags: <defaults>
</compile_context>

<pallas_src>
import functools

import jax
import jax.numpy as jnp
from jax import lax
from jax.experimental import pallas as pl
from jax.experimental.pallas import tpu as pltpu
from jax.experimental.pallas import tpu_sc as plsc

N_ROWS = 128
N_COLS = 8192
LANES = 16
NUM_CORES = 2
NUM_SUBCORES = 16
NUM_WORKERS = NUM_CORES * NUM_SUBCORES
ROWS_PER_WORKER = N_ROWS // NUM_WORKERS
UNROLL = 8
CHUNKS = N_COLS // LANES
OUTER = CHUNKS // UNROLL

_GATHER_DNUMS = lax.GatherDimensionNumbers(
    offset_dims=(), collapsed_slice_dims=(0,), start_index_map=(0,)
)


def _shuffle(v, perm):
    return lax.gather(
        v,
        perm[:, None],
        _GATHER_DNUMS,
        (1,),
        mode=lax.GatherScatterMode.PROMISE_IN_BOUNDS,
    )


def _merge(av, ap, bv, bp):
    pred = (bv > av) | ((bv == av) & (bp < ap))
    return jnp.where(pred, bv, av), jnp.where(pred, bp, ap)


@functools.partial(
    pl.kernel,
    mesh=plsc.VectorSubcoreMesh(core_axis_name="c", subcore_axis_name="s"),
    out_type=jax.ShapeDtypeStruct((NUM_WORKERS, LANES), jnp.int32),
    scratch_types=[
        pltpu.VMEM((ROWS_PER_WORKER, N_COLS), jnp.float32),
        pltpu.VMEM((LANES,), jnp.int32),
    ]
    + [pltpu.SemaphoreType.DMA] * ROWS_PER_WORKER,
)
def _argmax_sc(x_hbm, out_hbm, rows_v, res_v, *sems):
    wid = lax.axis_index("s") * NUM_CORES + lax.axis_index("c")
    base = wid * ROWS_PER_WORKER
    copies = [
        pltpu.async_copy(x_hbm.at[base + j], rows_v.at[j], sems[j])
        for j in range(ROWS_PER_WORKER)
    ]

    iota = lax.iota(jnp.int32, LANES)
    res = jnp.zeros((LANES,), jnp.int32)
    for j in range(ROWS_PER_WORKER):
        copies[j].wait()

        def body(t, carry):
            accs = list(carry[:-1])
            tv = carry[-1]
            col0 = t * (UNROLL * LANES)
            for k in range(UNROLL):
                mv, mi = accs[k]
                v = rows_v[j, pl.ds(col0 + k * LANES, LANES)]
                pred = v > mv
                accs[k] = (jnp.where(pred, v, mv), jnp.where(pred, tv, mi))
            return tuple(accs) + (tv + 1,)

        zero = jnp.zeros((LANES,), jnp.int32)
        ninf = jnp.full((LANES,), -jnp.inf, jnp.float32)
        init = tuple((ninf, zero) for _ in range(UNROLL)) + (zero,)
        out = lax.fori_loop(0, OUTER, body, init)

        pairs = [
            (mv, mi * (UNROLL * LANES) + (k * LANES) + iota)
            for k, (mv, mi) in enumerate(out[:-1])
        ]
        while len(pairs) > 1:
            nxt = []
            for a in range(0, len(pairs), 2):
                av, ap = pairs[a]
                bv, bp = pairs[a + 1]
                nxt.append(_merge(av, ap, bv, bp))
            pairs = nxt
        maxv, maxp = pairs[0]

        for s in (8, 4, 2, 1):
            perm = iota ^ s
            ov = _shuffle(maxv, perm)
            op = _shuffle(maxp, perm)
            maxv, maxp = _merge(maxv, maxp, ov, op)
        res = jnp.where(iota == j, maxp - 1, res)

    res_v[...] = res
    pltpu.sync_copy(res_v, out_hbm.at[wid])


@jax.jit
def kernel(x):
    out = _argmax_sc(x)
    return out[:, :ROWS_PER_WORKER].reshape(N_ROWS, 1)

# --- scband reference (transcript-rebuilt; emitter-appended) ---
"""Pipeline reference for scband-argmax-31447750542180 (READ-ONLY COPY).

The authoritative reference and input builder live on the scoring server;
editing this copy changes nothing except your own understanding.
"""

import jax, jax.numpy as jnp
import numpy as np


def setup_inputs(seed: int = 0) -> dict:
    key = jax.random.key(seed)
    x = jax.random.normal(key, (128, 8192), dtype=jnp.float32)
    return {"x": x}


def reference(x):
    # Faithful translation of forward:
    #   out = np.argmax(x, axis=1).reshape(-1, 1) - 1
    out = jnp.argmax(x, axis=1).reshape(-1, 1) - 1
    return out

if __name__ == "__main__":
    import jax
    _d = setup_inputs()
    print(jax.jit(kernel)(*tuple(_d.values())))

</pallas_src>

<mosaic_0001>
#map = affine_map<(d0, d1) -> (0, 0)>
module attributes {stable_mosaic.version = 14 : i64} {
  func.func @_argmax_sc(%arg0: i32, %arg1: i32, %arg2: memref<128x8192xf32, #tpu.memory_space<hbm>>, %arg3: memref<32x16xi32, #tpu.memory_space<hbm>>, %arg4: memref<4x8192xf32, #tpu.memory_space<vmem>>, %arg5: memref<16xi32, #tpu.memory_space<vmem>>, %arg6: memref<!tpu.dma_semaphore, #tpu.memory_space<semaphore_mem>>, %arg7: memref<!tpu.dma_semaphore, #tpu.memory_space<semaphore_mem>>, %arg8: memref<!tpu.dma_semaphore, #tpu.memory_space<semaphore_mem>>, %arg9: memref<!tpu.dma_semaphore, #tpu.memory_space<semaphore_mem>>) attributes {dimension_semantics = [#tpu.dimension_semantics<core_parallel>, #tpu.dimension_semantics<subcore_parallel>], iteration_bounds = array<i64: 2, 16>, scalar_prefetch = 0 : i64, scratch_operands = 6 : i64, tpu.core_type = #tpu.core_type<sc_vector_subcore>, window_params = [{transform_indices = #map}, {transform_indices = #map}]} {
    %mul3A = arith.constant 2 : i32
    %mul3A_0 = arith.muli %arg1, %mul3A : i32
    %add3A = arith.addi %mul3A_0, %arg0 : i32
    %mul3A_1 = arith.constant 4 : i32
    %mul3A_2 = arith.muli %add3A, %mul3A_1 : i32
    %add3A_3 = arith.constant 0 : i32
    %add3A_4 = arith.addi %mul3A_2, %add3A_3 : i32
    %dma_start3A = arith.constant 0 : i32
    %dma_start3A_5 = arith.constant 0 : i32
    %dma_start3A_6 = tpu.memref_slice %arg4[%dma_start3A, %dma_start3A_5] : memref<4x8192xf32, #tpu.memory_space<vmem>> -> memref<1x8192xf32, #tpu.memory_space<vmem>>
    %dma_start3A_7 = tpu.memref_squeeze %dma_start3A_6 : memref<1x8192xf32, #tpu.memory_space<vmem>> -> memref<8192xf32, #tpu.memory_space<vmem>>
    %dma_start3A_8 = arith.constant 0 : i32
    %dma_start3A_9 = tpu.memref_slice %arg2[%add3A_4, %dma_start3A_8] : memref<128x8192xf32, #tpu.memory_space<hbm>> -> memref<1x8192xf32, #tpu.memory_space<hbm>>
    %dma_start3A_10 = tpu.memref_squeeze %dma_start3A_9 : memref<1x8192xf32, #tpu.memory_space<hbm>> -> memref<8192xf32, #tpu.memory_space<hbm>>
    %dma_start3A_11 = arith.constant 0 : i32
    %dma_start3A_12 = tpu.memref_slice %arg4[%dma_start3A, %dma_start3A_11] : memref<4x8192xf32, #tpu.memory_space<vmem>> -> memref<1x8192xf32, #tpu.memory_space<vmem>>
    %dma_start3A_13 = tpu.memref_squeeze %dma_start3A_12 : memref<1x8192xf32, #tpu.memory_space<vmem>> -> memref<8192xf32, #tpu.memory_space<vmem>>
    %dma_start3A_14 = arith.constant 0 : i32
    %dma_start3A_15 = tpu.memref_slice %arg2[%add3A_4, %dma_start3A_14] : memref<128x8192xf32, #tpu.memory_space<hbm>> -> memref<1x8192xf32, #tpu.memory_space<hbm>>
    %dma_start3A_16 = tpu.memref_squeeze %dma_start3A_15 : memref<1x8192xf32, #tpu.memory_space<hbm>> -> memref<8192xf32, #tpu.memory_space<hbm>>
    tpu.enqueue_dma source(%dma_start3A_16 : memref<8192xf32, #tpu.memory_space<hbm>>) target(%dma_start3A_13 : memref<8192xf32, #tpu.memory_space<vmem>>) target_semaphore(%arg6 : memref<!tpu.dma_semaphore, #tpu.memory_space<semaphore_mem>>)
    %add3A_17 = arith.constant 1 : i32
    %add3A_18 = arith.addi %mul3A_2, %add3A_17 : i32
    %dma_start3A_19 = arith.constant 1 : i32
    %dma_start3A_20 = arith.constant 0 : i32
    %dma_start3A_21 = tpu.memref_slice %arg4[%dma_start3A_19, %dma_start3A_20] : memref<4x8192xf32, #tpu.memory_space<vmem>> -> memref<1x8192xf32, #tpu.memory_space<vmem>>
    %dma_start3A_22 = tpu.memref_squeeze %dma_start3A_21 : memref<1x8192xf32, #tpu.memory_space<vmem>> -> memref<8192xf32, #tpu.memory_space<vmem>>
    %dma_start3A_23 = arith.constant 0 : i32
    %dma_start3A_24 = tpu.memref_slice %arg2[%add3A_18, %dma_start3A_23] : memref<128x8192xf32, #tpu.memory_space<hbm>> -> memref<1x8192xf32, #tpu.memory_space<hbm>>
    %dma_start3A_25 = tpu.memref_squeeze %dma_start3A_24 : memref<1x8192xf32, #tpu.memory_space<hbm>> -> memref<8192xf32, #tpu.memory_space<hbm>>
    %dma_start3A_26 = arith.constant 0 : i32
    %dma_start3A_27 = tpu.memref_slice %arg4[%dma_start3A_19, %dma_start3A_26] : memref<4x8192xf32, #tpu.memory_space<vmem>> -> memref<1x8192xf32, #tpu.memory_space<vmem>>
    %dma_start3A_28 = tpu.memref_squeeze %dma_start3A_27 : memref<1x8192xf32, #tpu.memory_space<vmem>> -> memref<8192xf32, #tpu.memory_space<vmem>>
    %dma_start3A_29 = arith.constant 0 : i32
    %dma_start3A_30 = tpu.memref_slice %arg2[%add3A_18, %dma_start3A_29] : memref<128x8192xf32, #tpu.memory_space<hbm>> -> memref<1x8192xf32, #tpu.memory_space<hbm>>
    %dma_start3A_31 = tpu.memref_squeeze %dma_start3A_30 : memref<1x8192xf32, #tpu.memory_space<hbm>> -> memref<8192xf32, #tpu.memory_space<hbm>>
    tpu.enqueue_dma source(%dma_start3A_31 : memref<8192xf32, #tpu.memory_space<hbm>>) target(%dma_start3A_28 : memref<8192xf32, #tpu.memory_space<vmem>>) target_semaphore(%arg7 : memref<!tpu.dma_semaphore, #tpu.memory_space<semaphore_mem>>)
    %add3A_32 = arith.constant 2 : i32
    %add3A_33 = arith.addi %mul3A_2, %add3A_32 : i32
    %dma_start3A_34 = arith.constant 2 : i32
    %dma_start3A_35 = arith.constant 0 : i32
    %dma_start3A_36 = tpu.memref_slice %arg4[%dma_start3A_34, %dma_start3A_35] : memref<4x8192xf32, #tpu.memory_space<vmem>> -> memref<1x8192xf32, #tpu.memory_space<vmem>>
    %dma_start3A_37 = tpu.memref_squeeze %dma_start3A_36 : memref<1x8192xf32, #tpu.memory_space<vmem>> -> memref<8192xf32, #tpu.memory_space<vmem>>
    %dma_start3A_38 = arith.constant 0 : i32
    %dma_start3A_39 = tpu.memref_slice %arg2[%add3A_33, %dma_start3A_38] : memref<128x8192xf32, #tpu.memory_space<hbm>> -> memref<1x8192xf32, #tpu.memory_space<hbm>>
    %dma_start3A_40 = tpu.memref_squeeze %dma_start3A_39 : memref<1x8192xf32, #tpu.memory_space<hbm>> -> memref<8192xf32, #tpu.memory_space<hbm>>
    %dma_start3A_41 = arith.constant 0 : i32
    %dma_start3A_42 = tpu.memref_slice %arg4[%dma_start3A_34, %dma_start3A_41] : memref<4x8192xf32, #tpu.memory_space<vmem>> -> memref<1x8192xf32, #tpu.memory_space<vmem>>
    %dma_start3A_43 = tpu.memref_squeeze %dma_start3A_42 : memref<1x8192xf32, #tpu.memory_space<vmem>> -> memref<8192xf32, #tpu.memory_space<vmem>>
    %dma_start3A_44 = arith.constant 0 : i32
    %dma_start3A_45 = tpu.memref_slice %arg2[%add3A_33, %dma_start3A_44] : memref<128x8192xf32, #tpu.memory_space<hbm>> -> memref<1x8192xf32, #tpu.memory_space<hbm>>
    %dma_start3A_46 = tpu.memref_squeeze %dma_start3A_45 : memref<1x8192xf32, #tpu.memory_space<hbm>> -> memref<8192xf32, #tpu.memory_space<hbm>>
    tpu.enqueue_dma source(%dma_start3A_46 : memref<8192xf32, #tpu.memory_space<hbm>>) target(%dma_start3A_43 : memref<8192xf32, #tpu.memory_space<vmem>>) target_semaphore(%arg8 : memref<!tpu.dma_semaphore, #tpu.memory_space<semaphore_mem>>)
    %add3A_47 = arith.constant 3 : i32
    %add3A_48 = arith.addi %mul3A_2, %add3A_47 : i32
    %dma_start3A_49 = arith.constant 3 : i32
    %dma_start3A_50 = arith.constant 0 : i32
    %dma_start3A_51 = tpu.memref_slice %arg4[%dma_start3A_49, %dma_start3A_50] : memref<4x8192xf32, #tpu.memory_space<vmem>> -> memref<1x8192xf32, #tpu.memory_space<vmem>>
    %dma_start3A_52 = tpu.memref_squeeze %dma_start3A_51 : memref<1x8192xf32, #tpu.memory_space<vmem>> -> memref<8192xf32, #tpu.memory_space<vmem>>
    %dma_start3A_53 = arith.constant 0 : i32
    %dma_start3A_54 = tpu.memref_slice %arg2[%add3A_48, %dma_start3A_53] : memref<128x8192xf32, #tpu.memory_space<hbm>> -> memref<1x8192xf32, #tpu.memory_space<hbm>>
    %dma_start3A_55 = tpu.memref_squeeze %dma_start3A_54 : memref<1x8192xf32, #tpu.memory_space<hbm>> -> memref<8192xf32, #tpu.memory_space<hbm>>
    %dma_start3A_56 = arith.constant 0 : i32
    %dma_start3A_57 = tpu.memref_slice %arg4[%dma_start3A_49, %dma_start3A_56] : memref<4x8192xf32, #tpu.memory_space<vmem>> -> memref<1x8192xf32, #tpu.memory_space<vmem>>
    %dma_start3A_58 = tpu.memref_squeeze %dma_start3A_57 : memref<1x8192xf32, #tpu.memory_space<vmem>> -> memref<8192xf32, #tpu.memory_space<vmem>>
    %dma_start3A_59 = arith.constant 0 : i32
    %dma_start3A_60 = tpu.memref_slice %arg2[%add3A_48, %dma_start3A_59] : memref<128x8192xf32, #tpu.memory_space<hbm>> -> memref<1x8192xf32, #tpu.memory_space<hbm>>
    %dma_start3A_61 = tpu.memref_squeeze %dma_start3A_60 : memref<1x8192xf32, #tpu.memory_space<hbm>> -> memref<8192xf32, #tpu.memory_space<hbm>>
    tpu.enqueue_dma source(%dma_start3A_61 : memref<8192xf32, #tpu.memory_space<hbm>>) target(%dma_start3A_58 : memref<8192xf32, #tpu.memory_space<vmem>>) target_semaphore(%arg9 : memref<!tpu.dma_semaphore, #tpu.memory_space<semaphore_mem>>)
    %iota3A = tpu.iota {dimensions = array<i32: 0>} : vector<16xi32>
    %broadcast_in_dim3A = arith.constant 0 : i32
    %broadcast_in_dim3A_62 = vector.broadcast %broadcast_in_dim3A : i32 to vector<16xi32>
    %dma_wait3A = arith.constant 0 : i32
    %dma_wait3A_63 = arith.constant 0 : i32
    %dma_wait3A_64 = tpu.memref_slice %arg4[%dma_wait3A, %dma_wait3A_63] : memref<4x8192xf32, #tpu.memory_space<vmem>> -> memref<1x8192xf32, #tpu.memory_space<vmem>>
    %dma_wait3A_65 = tpu.memref_squeeze %dma_wait3A_64 : memref<1x8192xf32, #tpu.memory_space<vmem>> -> memref<8192xf32, #tpu.memory_space<vmem>>
    %dma_wait3A_66 = arith.constant 0 : i32
    %dma_wait3A_67 = tpu.memref_slice %arg2[%add3A_4, %dma_wait3A_66] : memref<128x8192xf32, #tpu.memory_space<hbm>> -> memref<1x8192xf32, #tpu.memory_space<hbm>>
    %dma_wait3A_68 = tpu.memref_squeeze %dma_wait3A_67 : memref<1x8192xf32, #tpu.memory_space<hbm>> -> memref<8192xf32, #tpu.memory_space<hbm>>
    %dma_wait3A_69 = arith.constant 0 : i32
    %dma_wait3A_70 = tpu.memref_slice %arg4[%dma_wait3A, %dma_wait3A_69] : memref<4x8192xf32, #tpu.memory_space<vmem>> -> memref<1x8192xf32, #tpu.memory_space<vmem>>
    %dma_wait3A_71 = tpu.memref_squeeze %dma_wait3A_70 : memref<1x8192xf32, #tpu.memory_space<vmem>> -> memref<8192xf32, #tpu.memory_space<vmem>>
    %dma_wait3A_72 = arith.constant 0 : i32
    %dma_wait3A_73 = tpu.memref_slice %arg2[%add3A_4, %dma_wait3A_72] : memref<128x8192xf32, #tpu.memory_space<hbm>> -> memref<1x8192xf32, #tpu.memory_space<hbm>>
    %dma_wait3A_74 = tpu.memref_squeeze %dma_wait3A_73 : memref<1x8192xf32, #tpu.memory_space<hbm>> -> memref<8192xf32, #tpu.memory_space<hbm>>
    tpu.wait_dma2 semaphore(%arg6 : memref<!tpu.dma_semaphore, #tpu.memory_space<semaphore_mem>>) src(%dma_wait3A_74 : memref<8192xf32, #tpu.memory_space<hbm>>) dst(%dma_wait3A_71 : memref<8192xf32, #tpu.memory_space<vmem>>)
    %broadcast_in_dim3A_75 = arith.constant 0 : i32
    %broadcast_in_dim3A_76 = vector.broadcast %broadcast_in_dim3A_75 : i32 to vector<16xi32>
    %broadcast_in_dim3A_77 = arith.constant 0xFF800000 : f32
    %broadcast_in_dim3A_78 = vector.broadcast %broadcast_in_dim3A_77 : f32 to vector<16xf32>
    %scan3A = arith.constant 0 : i32
    %scan3A_79 = arith.constant 64 : i32
    %scan3A_80 = arith.addi %scan3A, %scan3A_79 : i32
    %scan3A_81 = arith.constant 1 : i32
    %scan3A_82:17 = scf.for %scan3A_851 = %scan3A to %scan3A_80 step %scan3A_81 iter_args(%scan3A_852 = %broadcast_in_dim3A_78, %scan3A_853 = %broadcast_in_dim3A_76, %scan3A_854 = %broadcast_in_dim3A_78, %scan3A_855 = %broadcast_in_dim3A_76, %scan3A_856 = %broadcast_in_dim3A_78, %scan3A_857 = %broadcast_in_dim3A_76, %scan3A_858 = %broadcast_in_dim3A_78, %scan3A_859 = %broadcast_in_dim3A_76, %scan3A_860 = %broadcast_in_dim3A_78, %scan3A_861 = %broadcast_in_dim3A_76, %scan3A_862 = %broadcast_in_dim3A_78, %scan3A_863 = %broadcast_in_dim3A_76, %scan3A_864 = %broadcast_in_dim3A_78, %scan3A_865 = %broadcast_in_dim3A_76, %scan3A_866 = %broadcast_in_dim3A_78, %scan3A_867 = %broadcast_in_dim3A_76, %scan3A_868 = %broadcast_in_dim3A_76) -> (vector<16xf32>, vector<16xi32>, vector<16xf32>, vector<16xi32>, vector<16xf32>, vector<16xi32>, vector<16xf32>, vector<16xi32>, vector<16xf32>, vector<16xi32>, vector<16xf32>, vector<16xi32>, vector<16xf32>, vector<16xi32>, vector<16xf32>, vector<16xi32>, vector<16xi32>)  : i32 {
      %mul3A_869 = arith.constant 128 : i32
      %mul3A_870 = arith.muli %scan3A_851, %mul3A_869 : i32
      %add3A_871 = arith.constant 0 : i32
      %add3A_872 = arith.addi %mul3A_870, %add3A_871 : i32
      %get3A = arith.constant 0 : i32
      %get3A_873 = arith.index_cast %get3A : i32 to index
      %get3A_874 = arith.index_cast %add3A_872 : i32 to index
      %get3A_875 = tpu.vector_load %arg4[%get3A_873, %get3A_874] {strides = array<i32>} : memref<4x8192xf32, #tpu.memory_space<vmem>>, vector<1x16xf32>,
      %get3A_876 = vector.shape_cast %get3A_875 : vector<1x16xf32> to vector<16xf32>
      %gt3A_877 = arith.cmpf ogt, %get3A_876, %scan3A_852 : vector<16xf32>
      %select_n3A_878 = arith.select %gt3A_877, %get3A_876, %scan3A_852 : vector<16xi1>, vector<16xf32>
      %select_n3A_879 = arith.select %gt3A_877, %scan3A_868, %scan3A_853 : vector<16xi1>, vector<16xi32>
      %add3A_880 = arith.constant 16 : i32
      %add3A_881 = arith.addi %mul3A_870, %add3A_880 : i32
      %get3A_882 = arith.constant 0 : i32
      %get3A_883 = arith.index_cast %get3A_882 : i32 to index
      %get3A_884 = arith.index_cast %add3A_881 : i32 to index
      %get3A_885 = tpu.vector_load %arg4[%get3A_883, %get3A_884] {strides = array<i32>} : memref<4x8192xf32, #tpu.memory_space<vmem>>, vector<1x16xf32>,
      %get3A_886 = vector.shape_cast %get3A_885 : vector<1x16xf32> to vector<16xf32>
      %gt3A_887 = arith.cmpf ogt, %get3A_886, %scan3A_854 : vector<16xf32>
      %select_n3A_888 = arith.select %gt3A_887, %get3A_886, %scan3A_854 : vector<16xi1>, vector<16xf32>
      %select_n3A_889 = arith.select %gt3A_887, %scan3A_868, %scan3A_855 : vector<16xi1>, vector<16xi32>
      %add3A_890 = arith.constant 32 : i32
      %add3A_891 = arith.addi %mul3A_870, %add3A_890 : i32
      %get3A_892 = arith.constant 0 : i32
      %get3A_893 = arith.index_cast %get3A_892 : i32 to index
      %get3A_894 = arith.index_cast %add3A_891 : i32 to index
      %get3A_895 = tpu.vector_load %arg4[%get3A_893, %get3A_894] {strides = array<i32>} : memref<4x8192xf32, #tpu.memory_space<vmem>>, vector<1x16xf32>,
      %get3A_896 = vector.shape_cast %get3A_895 : vector<1x16xf32> to vector<16xf32>
      %gt3A_897 = arith.cmpf ogt, %get3A_896, %scan3A_856 : vector<16xf32>
      %select_n3A_898 = arith.select %gt3A_897, %get3A_896, %scan3A_856 : vector<16xi1>, vector<16xf32>
      %select_n3A_899 = arith.select %gt3A_897, %scan3A_868, %scan3A_857 : vector<16xi1>, vector<16xi32>
      %add3A_900 = arith.constant 48 : i32
      %add3A_901 = arith.addi %mul3A_870, %add3A_900 : i32
      %get3A_902 = arith.constant 0 : i32
      %get3A_903 = arith.index_cast %get3A_902 : i32 to index
      %get3A_904 = arith.index_cast %add3A_901 : i32 to index
      %get3A_905 = tpu.vector_load %arg4[%get3A_903, %get3A_904] {strides = array<i32>} : memref<4x8192xf32, #tpu.memory_space<vmem>>, vector<1x16xf32>,
      %get3A_906 = vector.shape_cast %get3A_905 : vector<1x16xf32> to vector<16xf32>
      %gt3A_907 = arith.cmpf ogt, %get3A_906, %scan3A_858 : vector<16xf32>
      %select_n3A_908 = arith.select %gt3A_907, %get3A_906, %scan3A_858 : vector<16xi1>, vector<16xf32>
      %select_n3A_909 = arith.select %gt3A_907, %scan3A_868, %scan3A_859 : vector<16xi1>, vector<16xi32>
      %add3A_910 = arith.constant 64 : i32
      %add3A_911 = arith.addi %mul3A_870, %add3A_910 : i32
      %get3A_912 = arith.constant 0 : i32
      %get3A_913 = arith.index_cast %get3A_912 : i32 to index
      %get3A_914 = arith.index_cast %add3A_911 : i32 to index
      %get3A_915 = tpu.vector_load %arg4[%get3A_913, %get3A_914] {strides = array<i32>} : memref<4x8192xf32, #tpu.memory_space<vmem>>, vector<1x16xf32>,
      %get3A_916 = vector.shape_cast %get3A_915 : vector<1x16xf32> to vector<16xf32>
      %gt3A_917 = arith.cmpf ogt, %get3A_916, %scan3A_860 : vector<16xf32>
      %select_n3A_918 = arith.select %gt3A_917, %get3A_916, %scan3A_860 : vector<16xi1>, vector<16xf32>
      %select_n3A_919 = arith.select %gt3A_917, %scan3A_868, %scan3A_861 : vector<16xi1>, vector<16xi32>
      %add3A_920 = arith.constant 80 : i32
      %add3A_921 = arith.addi %mul3A_870, %add3A_920 : i32
      %get3A_922 = arith.constant 0 : i32
      %get3A_923 = arith.index_cast %get3A_922 : i32 to index
      %get3A_924 = arith.index_cast %add3A_921 : i32 to index
      %get3A_925 = tpu.vector_load %arg4[%get3A_923, %get3A_924] {strides = array<i32>} : memref<4x8192xf32, #tpu.memory_space<vmem>>, vector<1x16xf32>,
      %get3A_926 = vector.shape_cast %get3A_925 : vector<1x16xf32> to vector<16xf32>
      %gt3A_927 = arith.cmpf ogt, %get3A_926, %scan3A_862 : vector<16xf32>
      %select_n3A_928 = arith.select %gt3A_927, %get3A_926, %scan3A_862 : vector<16xi1>, vector<16xf32>
      %select_n3A_929 = arith.select %gt3A_927, %scan3A_868, %scan3A_863 : vector<16xi1>, vector<16xi32>
      %add3A_930 = arith.constant 96 : i32
      %add3A_931 = arith.addi %mul3A_870, %add3A_930 : i32
      %get3A_932 = arith.constant 0 : i32
      %get3A_933 = arith.index_cast %get3A_932 : i32 to index
      %get3A_934 = arith.index_cast %add3A_931 : i32 to index
      %get3A_935 = tpu.vector_load %arg4[%get3A_933, %get3A_934] {strides = array<i32>} : memref<4x8192xf32, #tpu.memory_space<vmem>>, vector<1x16xf32>,
      %get3A_936 = vector.shape_cast %get3A_935 : vector<1x16xf32> to vector<16xf32>
      %gt3A_937 = arith.cmpf ogt, %get3A_936, %scan3A_864 : vector<16xf32>
      %select_n3A_938 = arith.select %gt3A_937, %get3A_936, %scan3A_864 : vector<16xi1>, vector<16xf32>
      %select_n3A_939 = arith.select %gt3A_937, %scan3A_868, %scan3A_865 : vector<16xi1>, vector<16xi32>
      %add3A_940 = arith.constant 112 : i32
      %add3A_941 = arith.addi %mul3A_870, %add3A_940 : i32
      %get3A_942 = arith.constant 0 : i32
      %get3A_943 = arith.index_cast %get3A_942 : i32 to index
      %get3A_944 = arith.index_cast %add3A_941 : i32 to index
      %get3A_945 = tpu.vector_load %arg4[%get3A_943, %get3A_944] {strides = array<i32>} : memref<4x8192xf32, #tpu.memory_space<vmem>>, vector<1x16xf32>,
      %get3A_946 = vector.shape_cast %get3A_945 : vector<1x16xf32> to vector<16xf32>
      %gt3A_947 = arith.cmpf ogt, %get3A_946, %scan3A_866 : vector<16xf32>
      %select_n3A_948 = arith.select %gt3A_947, %get3A_946, %scan3A_866 : vector<16xi1>, vector<16xf32>
      %select_n3A_949 = arith.select %gt3A_947, %scan3A_868, %scan3A_867 : vector<16xi1>, vector<16xi32>
      %add3A_950 = arith.constant 1 : i32
      %add3A_951 = vector.broadcast %add3A_950 : i32 to vector<16xi32>
      %add3A_952 = arith.addi %scan3A_868, %add3A_951 : vector<16xi32>
      scf.yield %select_n3A_878, %select_n3A_879, %select_n3A_888, %select_n3A_889, %select_n3A_898, %select_n3A_899, %select_n3A_908, %select_n3A_909, %select_n3A_918, %select_n3A_919, %select_n3A_928, %select_n3A_929, %select_n3A_938, %select_n3A_939, %select_n3A_948, %select_n3A_949, %add3A_952 : vector<16xf32>, vector<16xi32>, vector<16xf32>, vector<16xi32>, vector<16xf32>, vector<16xi32>, vector<16xf32>, vector<16xi32>, vector<16xf32>, vector<16xi32>, vector<16xf32>, vector<16xi32>, vector<16xf32>, vector<16xi32>, vector<16xf32>, vector<16xi32>, vector<16xi32>
    }
    %scan3A_83 = arith.constant 64 : i32
    %mul3A_84 = arith.constant 128 : i32
    %mul3A_85 = vector.broadcast %mul3A_84 : i32 to vector<16xi32>
    %mul3A_86 = arith.muli %scan3A_82#1, %mul3A_85 : vector<16xi32>
    %add3A_87 = arith.constant 0 : i32
    %add3A_88 = vector.broadcast %add3A_87 : i32 to vector<16xi32>
    %add3A_89 = arith.addi %mul3A_86, %add3A_88 : vector<16xi32>
    %add3A_90 = arith.addi %add3A_89, %iota3A : vector<16xi32>
    %mul3A_91 = arith.constant 128 : i32
    %mul3A_92 = vector.broadcast %mul3A_91 : i32 to vector<16xi32>
    %mul3A_93 = arith.muli %scan3A_82#3, %mul3A_92 : vector<16xi32>
    %add3A_94 = arith.constant 16 : i32
    %add3A_95 = vector.broadcast %add3A_94 : i32 to vector<16xi32>
    %add3A_96 = arith.addi %mul3A_93, %add3A_95 : vector<16xi32>
    %add3A_97 = arith.addi %add3A_96, %iota3A : vector<16xi32>
    %mul3A_98 = arith.constant 128 : i32
    %mul3A_99 = vector.broadcast %mul3A_98 : i32 to vector<16xi32>
    %mul3A_100 = arith.muli %scan3A_82#5, %mul3A_99 : vector<16xi32>
    %add3A_101 = arith.constant 32 : i32
    %add3A_102 = vector.broadcast %add3A_101 : i32 to vector<16xi32>
    %add3A_103 = arith.addi %mul3A_100, %add3A_102 : vector<16xi32>
    %add3A_104 = arith.addi %add3A_103, %iota3A : vector<16xi32>
    %mul3A_105 = arith.constant 128 : i32
    %mul3A_106 = vector.broadcast %mul3A_105 : i32 to vector<16xi32>
    %mul3A_107 = arith.muli %scan3A_82#7, %mul3A_106 : vector<16xi32>
    %add3A_108 = arith.constant 48 : i32
    %add3A_109 = vector.broadcast %add3A_108 : i32 to vector<16xi32>
    %add3A_110 = arith.addi %mul3A_107, %add3A_109 : vector<16xi32>
    %add3A_111 = arith.addi %add3A_110, %iota3A : vector<16xi32>
    %mul3A_112 = arith.constant 128 : i32
    %mul3A_113 = vector.broadcast %mul3A_112 : i32 to vector<16xi32>
    %mul3A_114 = arith.muli %scan3A_82#9, %mul3A_113 : vector<16xi32>
    %add3A_115 = arith.constant 64 : i32
    %add3A_116 = vector.broadcast %add3A_115 : i32 to vector<16xi32>
    %add3A_117 = arith.addi %mul3A_114, %add3A_116 : vector<16xi32>
    %add3A_118 = arith.addi %add3A_117, %iota3A : vector<16xi32>
    %mul3A_119 = arith.constant 128 : i32
    %mul3A_120 = vector.broadcast %mul3A_119 : i32 to vector<16xi32>
    %mul3A_121 = arith.muli %scan3A_82#11, %mul3A_120 : vector<16xi32>
    %add3A_122 = arith.constant 80 : i32
    %add3A_123 = vector.broadcast %add3A_122 : i32 to vector<16xi32>
    %add3A_124 = arith.addi %mul3A_121, %add3A_123 : vector<16xi32>
    %add3A_125 = arith.addi %add3A_124, %iota3A : vector<16xi32>
    %mul3A_126 = arith.constant 128 : i32
    %mul3A_127 = vector.broadcast %mul3A_126 : i32 to vector<16xi32>
    %mul3A_128 = arith.muli %scan3A_82#13, %mul3A_127 : vector<16xi32>
    %add3A_129 = arith.constant 96 : i32
    %add3A_130 = vector.broadcast %add3A_129 : i32 to vector<16xi32>
    %add3A_131 = arith.addi %mul3A_128, %add3A_130 : vector<16xi32>
    %add3A_132 = arith.addi %add3A_131, %iota3A : vector<16xi32>
    %mul3A_133 = arith.constant 128 : i32
    %mul3A_134 = vector.broadcast %mul3A_133 : i32 to vector<16xi32>
    %mul3A_135 = arith.muli %scan3A_82#15, %mul3A_134 : vector<16xi32>
    %add3A_136 = arith.constant 112 : i32
    %add3A_137 = vector.broadcast %add3A_136 : i32 to vector<16xi32>
    %add3A_138 = arith.addi %mul3A_135, %add3A_137 : vector<16xi32>
    %add3A_139 = arith.addi %add3A_138, %iota3A : vector<16xi32>
    %gt3A = arith.cmpf ogt, %scan3A_82#2, %scan3A_82#0 : vector<16xf32>
    %eq3A = arith.cmpf oeq, %scan3A_82#2, %scan3A_82#0 : vector<16xf32>
    %lt3A = arith.cmpi slt, %add3A_97, %add3A_90 : vector<16xi32>
    %and3A = arith.andi %eq3A, %lt3A : vector<16xi1>
    %or3A = arith.ori %gt3A, %and3A : vector<16xi1>
    %select_n3A = arith.select %or3A, %scan3A_82#2, %scan3A_82#0 : vector<16xi1>, vector<16xf32>
    %select_n3A_140 = arith.select %or3A, %add3A_97, %add3A_90 : vector<16xi1>, vector<16xi32>
    %gt3A_141 = arith.cmpf ogt, %scan3A_82#6, %scan3A_82#4 : vector<16xf32>
    %eq3A_142 = arith.cmpf oeq, %scan3A_82#6, %scan3A_82#4 : vector<16xf32>
    %lt3A_143 = arith.cmpi slt, %add3A_111, %add3A_104 : vector<16xi32>
    %and3A_144 = arith.andi %eq3A_142, %lt3A_143 : vector<16xi1>
    %or3A_145 = arith.ori %gt3A_141, %and3A_144 : vector<16xi1>
    %select_n3A_146 = arith.select %or3A_145, %scan3A_82#6, %scan3A_82#4 : vector<16xi1>, vector<16xf32>
    %select_n3A_147 = arith.select %or3A_145, %add3A_111, %add3A_104 : vector<16xi1>, vector<16xi32>
    %gt3A_148 = arith.cmpf ogt, %scan3A_82#10, %scan3A_82#8 : vector<16xf32>
    %eq3A_149 = arith.cmpf oeq, %scan3A_82#10, %scan3A_82#8 : vector<16xf32>
    %lt3A_150 = arith.cmpi slt, %add3A_125, %add3A_118 : vector<16xi32>
    %and3A_151 = arith.andi %eq3A_149, %lt3A_150 : vector<16xi1>
    %or3A_152 = arith.ori %gt3A_148, %and3A_151 : vector<16xi1>
    %select_n3A_153 = arith.select %or3A_152, %scan3A_82#10, %scan3A_82#8 : vector<16xi1>, vector<16xf32>
    %select_n3A_154 = arith.select %or3A_152, %add3A_125, %add3A_118 : vector<16xi1>, vector<16xi32>
    %gt3A_155 = arith.cmpf ogt, %scan3A_82#14, %scan3A_82#12 : vector<16xf32>
    %eq3A_156 = arith.cmpf oeq, %scan3A_82#14, %scan3A_82#12 : vector<16xf32>
    %lt3A_157 = arith.cmpi slt, %add3A_139, %add3A_132 : vector<16xi32>
    %and3A_158 = arith.andi %eq3A_156, %lt3A_157 : vector<16xi1>
    %or3A_159 = arith.ori %gt3A_155, %and3A_158 : vector<16xi1>
    %select_n3A_160 = arith.select %or3A_159, %scan3A_82#14, %scan3A_82#12 : vector<16xi1>, vector<16xf32>
    %select_n3A_161 = arith.select %or3A_159, %add3A_139, %add3A_132 : vector<16xi1>, vector<16xi32>
    %gt3A_162 = arith.cmpf ogt, %select_n3A_146, %select_n3A : vector<16xf32>
    %eq3A_163 = arith.cmpf oeq, %select_n3A_146, %select_n3A : vector<16xf32>
    %lt3A_164 = arith.cmpi slt, %select_n3A_147, %select_n3A_140 : vector<16xi32>
    %and3A_165 = arith.andi %eq3A_163, %lt3A_164 : vector<16xi1>
    %or3A_166 = arith.ori %gt3A_162, %and3A_165 : vector<16xi1>
    %select_n3A_167 = arith.select %or3A_166, %select_n3A_146, %select_n3A : vector<16xi1>, vector<16xf32>
    %select_n3A_168 = arith.select %or3A_166, %select_n3A_147, %select_n3A_140 : vector<16xi1>, vector<16xi32>
    %gt3A_169 = arith.cmpf ogt, %select_n3A_160, %select_n3A_153 : vector<16xf32>
    %eq3A_170 = arith.cmpf oeq, %select_n3A_160, %select_n3A_153 : vector<16xf32>
    %lt3A_171 = arith.cmpi slt, %select_n3A_161, %select_n3A_154 : vector<16xi32>
    %and3A_172 = arith.andi %eq3A_170, %lt3A_171 : vector<16xi1>
    %or3A_173 = arith.ori %gt3A_169, %and3A_172 : vector<16xi1>
    %select_n3A_174 = arith.select %or3A_173, %select_n3A_160, %select_n3A_153 : vector<16xi1>, vector<16xf32>
    %select_n3A_175 = arith.select %or3A_173, %select_n3A_161, %select_n3A_154 : vector<16xi1>, vector<16xi32>
    %gt3A_176 = arith.cmpf ogt, %select_n3A_174, %select_n3A_167 : vector<16xf32>
    %eq3A_177 = arith.cmpf oeq, %select_n3A_174, %select_n3A_167 : vector<16xf32>
    %lt3A_178 = arith.cmpi slt, %select_n3A_175, %select_n3A_168 : vector<16xi32>
    %and3A_179 = arith.andi %eq3A_177, %lt3A_178 : vector<16xi1>
    %or3A_180 = arith.ori %gt3A_176, %and3A_179 : vector<16xi1>
    %select_n3A_181 = arith.select %or3A_180, %select_n3A_174, %select_n3A_167 : vector<16xi1>, vector<16xf32>
    %select_n3A_182 = arith.select %or3A_180, %select_n3A_175, %select_n3A_168 : vector<16xi1>, vector<16xi32>
    %xor3A = arith.constant 8 : i32
    %xor3A_183 = vector.broadcast %xor3A : i32 to vector<16xi32>
    %xor3A_184 = arith.xori %iota3A, %xor3A_183 : vector<16xi32>
    %broadcast_in_dim3A_185 = vector.shape_cast %xor3A_184 : vector<16xi32> to vector<16x1xi32>
    %gather3A = vector.shape_cast %broadcast_in_dim3A_185 : vector<16x1xi32> to vector<16xi32>
    %gather3A_186 = tpu.dynamic_gather %select_n3A_181[%gather3A] in [0] : vector<16xf32>, vector<16xi32> -> vector<16xf32>
    %broadcast_in_dim3A_187 = vector.shape_cast %xor3A_184 : vector<16xi32> to vector<16x1xi32>
    %gather3A_188 = vector.shape_cast %broadcast_in_dim3A_187 : vector<16x1xi32> to vector<16xi32>
    %gather3A_189 = tpu.dynamic_gather %select_n3A_182[%gather3A_188] in [0] : vector<16xi32>, vector<16xi32> -> vector<16xi32>
    %gt3A_190 = arith.cmpf ogt, %gather3A_186, %select_n3A_181 : vector<16xf32>
    %eq3A_191 = arith.cmpf oeq, %gather3A_186, %select_n3A_181 : vector<16xf32>
    %lt3A_192 = arith.cmpi slt, %gather3A_189, %select_n3A_182 : vector<16xi32>
    %and3A_193 = arith.andi %eq3A_191, %lt3A_192 : vector<16xi1>
    %or3A_194 = arith.ori %gt3A_190, %and3A_193 : vector<16xi1>
    %select_n3A_195 = arith.select %or3A_194, %gather3A_186, %select_n3A_181 : vector<16xi1>, vector<16xf32>
    %select_n3A_196 = arith.select %or3A_194, %gather3A_189, %select_n3A_182 : vector<16xi1>, vector<16xi32>
    %xor3A_197 = arith.constant 4 : i32
    %xor3A_198 = vector.broadcast %xor3A_197 : i32 to vector<16xi32>
    %xor3A_199 = arith.xori %iota3A, %xor3A_198 : vector<16xi32>
    %broadcast_in_dim3A_200 = vector.shape_cast %xor3A_199 : vector<16xi32> to vector<16x1xi32>
    %gather3A_201 = vector.shape_cast %broadcast_in_dim3A_200 : vector<16x1xi32> to vector<16xi32>
    %gather3A_202 = tpu.dynamic_gather %select_n3A_195[%gather3A_201] in [0] : vector<16xf32>, vector<16xi32> -> vector<16xf32>
    %broadcast_in_dim3A_203 = vector.shape_cast %xor3A_199 : vector<16xi32> to vector<16x1xi32>
    %gather3A_204 = vector.shape_cast %broadcast_in_dim3A_203 : vector<16x1xi32> to vector<16xi32>
    %gather3A_205 = tpu.dynamic_gather %select_n3A_196[%gather3A_204] in [0] : vector<16xi32>, vector<16xi32> -> vector<16xi32>
    %gt3A_206 = arith.cmpf ogt, %gather3A_202, %select_n3A_195 : vector<16xf32>
    %eq3A_207 = arith.cmpf oeq, %gather3A_202, %select_n3A_195 : vector<16xf32>
    %lt3A_208 = arith.cmpi slt, %gather3A_205, %select_n3A_196 : vector<16xi32>
    %and3A_209 = arith.andi %eq3A_207, %lt3A_208 : vector<16xi1>
    %or3A_210 = arith.ori %gt3A_206, %and3A_209 : vector<16xi1>
    %select_n3A_211 = arith.select %or3A_210, %gather3A_202, %select_n3A_195 : vector<16xi1>, vector<16xf32>
    %select_n3A_212 = arith.select %or3A_210, %gather3A_205, %select_n3A_196 : vector<16xi1>, vector<16xi32>
    %xor3A_213 = arith.constant 2 : i32
    %xor3A_214 = vector.broadcast %xor3A_213 : i32 to vector<16xi32>
    %xor3A_215 = arith.xori %iota3A, %xor3A_214 : vector<16xi32>
    %broadcast_in_dim3A_216 = vector.shape_cast %xor3A_215 : vector<16xi32> to vector<16x1xi32>
    %gather3A_217 = vector.shape_cast %broadcast_in_dim3A_216 : vector<16x1xi32> to vector<16xi32>
    %gather3A_218 = tpu.dynamic_gather %select_n3A_211[%gather3A_217] in [0] : vector<16xf32>, vector<16xi32> -> vector<16xf32>
    %broadcast_in_dim3A_219 = vector.shape_cast %xor3A_215 : vector<16xi32> to vector<16x1xi32>
    %gather3A_220 = vector.shape_cast %broadcast_in_dim3A_219 : vector<16x1xi32> to vector<16xi32>
    %gather3A_221 = tpu.dynamic_gather %select_n3A_212[%gather3A_220] in [0] : vector<16xi32>, vector<16xi32> -> vector<16xi32>
    %gt3A_222 = arith.cmpf ogt, %gather3A_218, %select_n3A_211 : vector<16xf32>
    %eq3A_223 = arith.cmpf oeq, %gather3A_218, %select_n3A_211 : vector<16xf32>
    %lt3A_224 = arith.cmpi slt, %gather3A_221, %select_n3A_212 : vector<16xi32>
    %and3A_225 = arith.andi %eq3A_223, %lt3A_224 : vector<16xi1>
    %or3A_226 = arith.ori %gt3A_222, %and3A_225 : vector<16xi1>
    %select_n3A_227 = arith.select %or3A_226, %gather3A_218, %select_n3A_211 : vector<16xi1>, vector<16xf32>
    %select_n3A_228 = arith.select %or3A_226, %gather3A_221, %select_n3A_212 : vector<16xi1>, vector<16xi32>
    %xor3A_229 = arith.constant 1 : i32
    %xor3A_230 = vector.broadcast %xor3A_229 : i32 to vector<16xi32>
    %xor3A_231 = arith.xori %iota3A, %xor3A_230 : vector<16xi32>
    %broadcast_in_dim3A_232 = vector.shape_cast %xor3A_231 : vector<16xi32> to vector<16x1xi32>
    %gather3A_233 = vector.shape_cast %broadcast_in_dim3A_232 : vector<16x1xi32> to vector<16xi32>
    %gather3A_234 = tpu.dynamic_gather %select_n3A_227[%gather3A_233] in [0] : vector<16xf32>, vector<16xi32> -> vector<16xf32>
    %broadcast_in_dim3A_235 = vector.shape_cast %xor3A_231 : vector<16xi32> to vector<16x1xi32>
    %gather3A_236 = vector.shape_cast %broadcast_in_dim3A_235 : vector<16x1xi32> to vector<16xi32>
    %gather3A_237 = tpu.dynamic_gather %select_n3A_228[%gather3A_236] in [0] : vector<16xi32>, vector<16xi32> -> vector<16xi32>
    %gt3A_238 = arith.cmpf ogt, %gather3A_234, %select_n3A_227 : vector<16xf32>
    %eq3A_239 = arith.cmpf oeq, %gather3A_234, %select_n3A_227 : vector<16xf32>
    %lt3A_240 = arith.cmpi slt, %gather3A_237, %select_n3A_228 : vector<16xi32>
    %and3A_241 = arith.andi %eq3A_239, %lt3A_240 : vector<16xi1>
    %or3A_242 = arith.ori %gt3A_238, %and3A_241 : vector<16xi1>
    %select_n3A_243 = arith.select %or3A_242, %gather3A_234, %select_n3A_227 : vector<16xi1>, vector<16xf32>
    %select_n3A_244 = arith.select %or3A_242, %gather3A_237, %select_n3A_228 : vector<16xi1>, vector<16xi32>
    %eq3A_245 = arith.constant 0 : i32
    %eq3A_246 = vector.broadcast %eq3A_245 : i32 to vector<16xi32>
    %eq3A_247 = arith.cmpi eq, %iota3A, %eq3A_246 : vector<16xi32>
    %sub3A = arith.constant 1 : i32
    %sub3A_248 = vector.broadcast %sub3A : i32 to vector<16xi32>
    %sub3A_249 = arith.subi %select_n3A_244, %sub3A_248 : vector<16xi32>
    %select_n3A_250 = arith.select %eq3A_247, %sub3A_249, %broadcast_in_dim3A_62 : vector<16xi1>, vector<16xi32>
    %dma_wait3A_251 = arith.constant 1 : i32
    %dma_wait3A_252 = arith.constant 0 : i32
    %dma_wait3A_253 = tpu.memref_slice %arg4[%dma_wait3A_251, %dma_wait3A_252] : memref<4x8192xf32, #tpu.memory_space<vmem>> -> memref<1x8192xf32, #tpu.memory_space<vmem>>
    %dma_wait3A_254 = tpu.memref_squeeze %dma_wait3A_253 : memref<1x8192xf32, #tpu.memory_space<vmem>> -> memref<8192xf32, #tpu.memory_space<vmem>>
    %dma_wait3A_255 = arith.constant 0 : i32
    %dma_wait3A_256 = tpu.memref_slice %arg2[%add3A_18, %dma_wait3A_255] : memref<128x8192xf32, #tpu.memory_space<hbm>> -> memref<1x8192xf32, #tpu.memory_space<hbm>>
    %dma_wait3A_257 = tpu.memref_squeeze %dma_wait3A_256 : memref<1x8192xf32, #tpu.memory_space<hbm>> -> memref<8192xf32, #tpu.memory_space<hbm>>
    %dma_wait3A_258 = arith.constant 0 : i32
    %dma_wait3A_259 = tpu.memref_slice %arg4[%dma_wait3A_251, %dma_wait3A_258] : memref<4x8192xf32, #tpu.memory_space<vmem>> -> memref<1x8192xf32, #tpu.memory_space<vmem>>
    %dma_wait3A_260 = tpu.memref_squeeze %dma_wait3A_259 : memref<1x8192xf32, #tpu.memory_space<vmem>> -> memref<8192xf32, #tpu.memory_space<vmem>>
    %dma_wait3A_261 = arith.constant 0 : i32
    %dma_wait3A_262 = tpu.memref_slice %arg2[%add3A_18, %dma_wait3A_261] : memref<128x8192xf32, #tpu.memory_space<hbm>> -> memref<1x8192xf32, #tpu.memory_space<hbm>>
    %dma_wait3A_263 = tpu.memref_squeeze %dma_wait3A_262 : memref<1x8192xf32, #tpu.memory_space<hbm>> -> memref<8192xf32, #tpu.memory_space<hbm>>
    tpu.wait_dma2 semaphore(%arg7 : memref<!tpu.dma_semaphore, #tpu.memory_space<semaphore_mem>>) src(%dma_wait3A_263 : memref<8192xf32, #tpu.memory_space<hbm>>) dst(%dma_wait3A_260 : memref<8192xf32, #tpu.memory_space<vmem>>)
    %broadcast_in_dim3A_264 = arith.constant 0 : i32
    %broadcast_in_dim3A_265 = vector.broadcast %broadcast_in_dim3A_264 : i32 to vector<16xi32>
    %broadcast_in_dim3A_266 = arith.constant 0xFF800000 : f32
    %broadcast_in_dim3A_267 = vector.broadcast %broadcast_in_dim3A_266 : f32 to vector<16xf32>
    %scan3A_268 = arith.constant 0 : i32
    %scan3A_269 = arith.constant 64 : i32
    %scan3A_270 = arith.addi %scan3A_268, %scan3A_269 : i32
    %scan3A_271 = arith.constant 1 : i32
    %scan3A_272:17 = scf.for %scan3A_851 = %scan3A_268 to %scan3A_270 step %scan3A_271 iter_args(%scan3A_852 = %broadcast_in_dim3A_267, %scan3A_853 = %broadcast_in_dim3A_265, %scan3A_854 = %broadcast_in_dim3A_267, %scan3A_855 = %broadcast_in_dim3A_265, %scan3A_856 = %broadcast_in_dim3A_267, %scan3A_857 = %broadcast_in_dim3A_265, %scan3A_858 = %broadcast_in_dim3A_267, %scan3A_859 = %broadcast_in_dim3A_265, %scan3A_860 = %broadcast_in_dim3A_267, %scan3A_861 = %broadcast_in_dim3A_265, %scan3A_862 = %broadcast_in_dim3A_267, %scan3A_863 = %broadcast_in_dim3A_265, %scan3A_864 = %broadcast_in_dim3A_267, %scan3A_865 = %broadcast_in_dim3A_265, %scan3A_866 = %broadcast_in_dim3A_267, %scan3A_867 = %broadcast_in_dim3A_265, %scan3A_868 = %broadcast_in_dim3A_265) -> (vector<16xf32>, vector<16xi32>, vector<16xf32>, vector<16xi32>, vector<16xf32>, vector<16xi32>, vector<16xf32>, vector<16xi32>, vector<16xf32>, vector<16xi32>, vector<16xf32>, vector<16xi32>, vector<16xf32>, vector<16xi32>, vector<16xf32>, vector<16xi32>, vector<16xi32>)  : i32 {
      %mul3A_869 = arith.constant 128 : i32
      %mul3A_870 = arith.muli %scan3A_851, %mul3A_869 : i32
      %add3A_871 = arith.constant 0 : i32
      %add3A_872 = arith.addi %mul3A_870, %add3A_871 : i32
      %get3A = arith.constant 1 : i32
      %get3A_873 = arith.index_cast %get3A : i32 to index
      %get3A_874 = arith.index_cast %add3A_872 : i32 to index
      %get3A_875 = tpu.vector_load %arg4[%get3A_873, %get3A_874] {strides = array<i32>} : memref<4x8192xf32, #tpu.memory_space<vmem>>, vector<1x16xf32>,
      %get3A_876 = vector.shape_cast %get3A_875 : vector<1x16xf32> to vector<16xf32>
      %gt3A_877 = arith.cmpf ogt, %get3A_876, %scan3A_852 : vector<16xf32>
      %select_n3A_878 = arith.select %gt3A_877, %get3A_876, %scan3A_852 : vector<16xi1>, vector<16xf32>
      %select_n3A_879 = arith.select %gt3A_877, %scan3A_868, %scan3A_853 : vector<16xi1>, vector<16xi32>
      %add3A_880 = arith.constant 16 : i32
      %add3A_881 = arith.addi %mul3A_870, %add3A_880 : i32
      %get3A_882 = arith.constant 1 : i32
      %get3A_883 = arith.index_cast %get3A_882 : i32 to index
      %get3A_884 = arith.index_cast %add3A_881 : i32 to index
      %get3A_885 = tpu.vector_load %arg4[%get3A_883, %get3A_884] {strides = array<i32>} : memref<4x8192xf32, #tpu.memory_space<vmem>>, vector<1x16xf32>,
      %get3A_886 = vector.shape_cast %get3A_885 : vector<1x16xf32> to vector<16xf32>
      %gt3A_887 = arith.cmpf ogt, %get3A_886, %scan3A_854 : vector<16xf32>
      %select_n3A_888 = arith.select %gt3A_887, %get3A_886, %scan3A_854 : vector<16xi1>, vector<16xf32>
      %select_n3A_889 = arith.select %gt3A_887, %scan3A_868, %scan3A_855 : vector<16xi1>, vector<16xi32>
      %add3A_890 = arith.constant 32 : i32
      %add3A_891 = arith.addi %mul3A_870, %add3A_890 : i32
      %get3A_892 = arith.constant 1 : i32
      %get3A_893 = arith.index_cast %get3A_892 : i32 to index
      %get3A_894 = arith.index_cast %add3A_891 : i32 to index
      %get3A_895 = tpu.vector_load %arg4[%get3A_893, %get3A_894] {strides = array<i32>} : memref<4x8192xf32, #tpu.memory_space<vmem>>, vector<1x16xf32>,
      %get3A_896 = vector.shape_cast %get3A_895 : vector<1x16xf32> to vector<16xf32>
      %gt3A_897 = arith.cmpf ogt, %get3A_896, %scan3A_856 : vector<16xf32>
      %select_n3A_898 = arith.select %gt3A_897, %get3A_896, %scan3A_856 : vector<16xi1>, vector<16xf32>
      %select_n3A_899 = arith.select %gt3A_897, %scan3A_868, %scan3A_857 : vector<16xi1>, vector<16xi32>
      %add3A_900 = arith.constant 48 : i32
      %add3A_901 = arith.addi %mul3A_870, %add3A_900 : i32
      %get3A_902 = arith.constant 1 : i32
      %get3A_903 = arith.index_cast %get3A_902 : i32 to index
      %get3A_904 = arith.index_cast %add3A_901 : i32 to index
      %get3A_905 = tpu.vector_load %arg4[%get3A_903, %get3A_904] {strides = array<i32>} : memref<4x8192xf32, #tpu.memory_space<vmem>>, vector<1x16xf32>,
      %get3A_906 = vector.shape_cast %get3A_905 : vector<1x16xf32> to vector<16xf32>
      %gt3A_907 = arith.cmpf ogt, %get3A_906, %scan3A_858 : vector<16xf32>
      %select_n3A_908 = arith.select %gt3A_907, %get3A_906, %scan3A_858 : vector<16xi1>, vector<16xf32>
      %select_n3A_909 = arith.select %gt3A_907, %scan3A_868, %scan3A_859 : vector<16xi1>, vector<16xi32>
      %add3A_910 = arith.constant 64 : i32
      %add3A_911 = arith.addi %mul3A_870, %add3A_910 : i32
      %get3A_912 = arith.constant 1 : i32
      %get3A_913 = arith.index_cast %get3A_912 : i32 to index
      %get3A_914 = arith.index_cast %add3A_911 : i32 to index
      %get3A_915 = tpu.vector_load %arg4[%get3A_913, %get3A_914] {strides = array<i32>} : memref<4x8192xf32, #tpu.memory_space<vmem>>, vector<1x16xf32>,
      %get3A_916 = vector.shape_cast %get3A_915 : vector<1x16xf32> to vector<16xf32>
      %gt3A_917 = arith.cmpf ogt, %get3A_916, %scan3A_860 : vector<16xf32>
      %select_n3A_918 = arith.select %gt3A_917, %get3A_916, %scan3A_860 : vector<16xi1>, vector<16xf32>
      %select_n3A_919 = arith.select %gt3A_917, %scan3A_868, %scan3A_861 : vector<16xi1>, vector<16xi32>
      %add3A_920 = arith.constant 80 : i32
      %add3A_921 = arith.addi %mul3A_870, %add3A_920 : i32
      %get3A_922 = arith.constant 1 : i32
      %get3A_923 = arith.index_cast %get3A_922 : i32 to index
      %get3A_924 = arith.index_cast %add3A_921 : i32 to index
      %get3A_925 = tpu.vector_load %arg4[%get3A_923, %get3A_924] {strides = array<i32>} : memref<4x8192xf32, #tpu.memory_space<vmem>>, vector<1x16xf32>,
      %get3A_926 = vector.shape_cast %get3A_925 : vector<1x16xf32> to vector<16xf32>
      %gt3A_927 = arith.cmpf ogt, %get3A_926, %scan3A_862 : vector<16xf32>
      %select_n3A_928 = arith.select %gt3A_927, %get3A_926, %scan3A_862 : vector<16xi1>, vector<16xf32>
      %select_n3A_929 = arith.select %gt3A_927, %scan3A_868, %scan3A_863 : vector<16xi1>, vector<16xi32>
      %add3A_930 = arith.constant 96 : i32
      %add3A_931 = arith.addi %mul3A_870, %add3A_930 : i32
      %get3A_932 = arith.constant 1 : i32
      %get3A_933 = arith.index_cast %get3A_932 : i32 to index
      %get3A_934 = arith.index_cast %add3A_931 : i32 to index
      %get3A_935 = tpu.vector_load %arg4[%get3A_933, %get3A_934] {strides = array<i32>} : memref<4x8192xf32, #tpu.memory_space<vmem>>, vector<1x16xf32>,
      %get3A_936 = vector.shape_cast %get3A_935 : vector<1x16xf32> to vector<16xf32>
      %gt3A_937 = arith.cmpf ogt, %get3A_936, %scan3A_864 : vector<16xf32>
      %select_n3A_938 = arith.select %gt3A_937, %get3A_936, %scan3A_864 : vector<16xi1>, vector<16xf32>
      %select_n3A_939 = arith.select %gt3A_937, %scan3A_868, %scan3A_865 : vector<16xi1>, vector<16xi32>
      %add3A_940 = arith.constant 112 : i32
      %add3A_941 = arith.addi %mul3A_870, %add3A_940 : i32
      %get3A_942 = arith.constant 1 : i32
      %get3A_943 = arith.index_cast %get3A_942 : i32 to index
      %get3A_944 = arith.index_cast %add3A_941 : i32 to index
      %get3A_945 = tpu.vector_load %arg4[%get3A_943, %get3A_944] {strides = array<i32>} : memref<4x8192xf32, #tpu.memory_space<vmem>>, vector<1x16xf32>,
      %get3A_946 = vector.shape_cast %get3A_945 : vector<1x16xf32> to vector<16xf32>
      %gt3A_947 = arith.cmpf ogt, %get3A_946, %scan3A_866 : vector<16xf32>
      %select_n3A_948 = arith.select %gt3A_947, %get3A_946, %scan3A_866 : vector<16xi1>, vector<16xf32>
      %select_n3A_949 = arith.select %gt3A_947, %scan3A_868, %scan3A_867 : vector<16xi1>, vector<16xi32>
      %add3A_950 = arith.constant 1 : i32
      %add3A_951 = vector.broadcast %add3A_950 : i32 to vector<16xi32>
      %add3A_952 = arith.addi %scan3A_868, %add3A_951 : vector<16xi32>
      scf.yield %select_n3A_878, %select_n3A_879, %select_n3A_888, %select_n3A_889, %select_n3A_898, %select_n3A_899, %select_n3A_908, %select_n3A_909, %select_n3A_918, %select_n3A_919, %select_n3A_928, %select_n3A_929, %select_n3A_938, %select_n3A_939, %select_n3A_948, %select_n3A_949, %add3A_952 : vector<16xf32>, vector<16xi32>, vector<16xf32>, vector<16xi32>, vector<16xf32>, vector<16xi32>, vector<16xf32>, vector<16xi32>, vector<16xf32>, vector<16xi32>, vector<16xf32>, vector<16xi32>, vector<16xf32>, vector<16xi32>, vector<16xf32>, vector<16xi32>, vector<16xi32>
    }
    %scan3A_273 = arith.constant 64 : i32
    %mul3A_274 = arith.constant 128 : i32
    %mul3A_275 = vector.broadcast %mul3A_274 : i32 to vector<16xi32>
    %mul3A_276 = arith.muli %scan3A_272#1, %mul3A_275 : vector<16xi32>
    %add3A_277 = arith.constant 0 : i32
    %add3A_278 = vector.broadcast %add3A_277 : i32 to vector<16xi32>
    %add3A_279 = arith.addi %mul3A_276, %add3A_278 : vector<16xi32>
    %add3A_280 = arith.addi %add3A_279, %iota3A : vector<16xi32>
    %mul3A_281 = arith.constant 128 : i32
    %mul3A_282 = vector.broadcast %mul3A_281 : i32 to vector<16xi32>
    %mul3A_283 = arith.muli %scan3A_272#3, %mul3A_282 : vector<16xi32>
    %add3A_284 = arith.constant 16 : i32
    %add3A_285 = vector.broadcast %add3A_284 : i32 to vector<16xi32>
    %add3A_286 = arith.addi %mul3A_283, %add3A_285 : vector<16xi32>
    %add3A_287 = arith.addi %add3A_286, %iota3A : vector<16xi32>
    %mul3A_288 = arith.constant 128 : i32
    %mul3A_289 = vector.broadcast %mul3A_288 : i32 to vector<16xi32>
    %mul3A_290 = arith.muli %scan3A_272#5, %mul3A_289 : vector<16xi32>
    %add3A_291 = arith.constant 32 : i32
    %add3A_292 = vector.broadcast %add3A_291 : i32 to vector<16xi32>
    %add3A_293 = arith.addi %mul3A_290, %add3A_292 : vector<16xi32>
    %add3A_294 = arith.addi %add3A_293, %iota3A : vector<16xi32>
    %mul3A_295 = arith.constant 128 : i32
    %mul3A_296 = vector.broadcast %mul3A_295 : i32 to vector<16xi32>
    %mul3A_297 = arith.muli %scan3A_272#7, %mul3A_296 : vector<16xi32>
    %add3A_298 = arith.constant 48 : i32
    %add3A_299 = vector.broadcast %add3A_298 : i32 to vector<16xi32>
    %add3A_300 = arith.addi %mul3A_297, %add3A_299 : vector<16xi32>
    %add3A_301 = arith.addi %add3A_300, %iota3A : vector<16xi32>
    %mul3A_302 = arith.constant 128 : i32
    %mul3A_303 = vector.broadcast %mul3A_302 : i32 to vector<16xi32>
    %mul3A_304 = arith.muli %scan3A_272#9, %mul3A_303 : vector<16xi32>
    %add3A_305 = arith.constant 64 : i32
    %add3A_306 = vector.broadcast %add3A_305 : i32 to vector<16xi32>
    %add3A_307 = arith.addi %mul3A_304, %add3A_306 : vector<16xi32>
    %add3A_308 = arith.addi %add3A_307, %iota3A : vector<16xi32>
    %mul3A_309 = arith.constant 128 : i32
    %mul3A_310 = vector.broadcast %mul3A_309 : i32 to vector<16xi32>
    %mul3A_311 = arith.muli %scan3A_272#11, %mul3A_310 : vector<16xi32>
    %add3A_312 = arith.constant 80 : i32
    %add3A_313 = vector.broadcast %add3A_312 : i32 to vector<16xi32>
    %add3A_314 = arith.addi %mul3A_311, %add3A_313 : vector<16xi32>
    %add3A_315 = arith.addi %add3A_314, %iota3A : vector<16xi32>
    %mul3A_316 = arith.constant 128 : i32
    %mul3A_317 = vector.broadcast %mul3A_316 : i32 to vector<16xi32>
    %mul3A_318 = arith.muli %scan3A_272#13, %mul3A_317 : vector<16xi32>
    %add3A_319 = arith.constant 96 : i32
    %add3A_320 = vector.broadcast %add3A_319 : i32 to vector<16xi32>
    %add3A_321 = arith.addi %mul3A_318, %add3A_320 : vector<16xi32>
    %add3A_322 = arith.addi %add3A_321, %iota3A : vector<16xi32>
    %mul3A_323 = arith.constant 128 : i32
    %mul3A_324 = vector.broadcast %mul3A_323 : i32 to vector<16xi32>
    %mul3A_325 = arith.muli %scan3A_272#15, %mul3A_324 : vector<16xi32>
    %add3A_326 = arith.constant 112 : i32
    %add3A_327 = vector.broadcast %add3A_326 : i32 to vector<16xi32>
    %add3A_328 = arith.addi %mul3A_325, %add3A_327 : vector<16xi32>
    %add3A_329 = arith.addi %add3A_328, %iota3A : vector<16xi32>
    %gt3A_330 = arith.cmpf ogt, %scan3A_272#2, %scan3A_272#0 : vector<16xf32>
    %eq3A_331 = arith.cmpf oeq, %scan3A_272#2, %scan3A_272#0 : vector<16xf32>
    %lt3A_332 = arith.cmpi slt, %add3A_287, %add3A_280 : vector<16xi32>
    %and3A_333 = arith.andi %eq3A_331, %lt3A_332 : vector<16xi1>
    %or3A_334 = arith.ori %gt3A_330, %and3A_333 : vector<16xi1>
    %select_n3A_335 = arith.select %or3A_334, %scan3A_272#2, %scan3A_272#0 : vector<16xi1>, vector<16xf32>
    %select_n3A_336 = arith.select %or3A_334, %add3A_287, %add3A_280 : vector<16xi1>, vector<16xi32>
    %gt3A_337 = arith.cmpf ogt, %scan3A_272#6, %scan3A_272#4 : vector<16xf32>
    %eq3A_338 = arith.cmpf oeq, %scan3A_272#6, %scan3A_272#4 : vector<16xf32>
    %lt3A_339 = arith.cmpi slt, %add3A_301, %add3A_294 : vector<16xi32>
    %and3A_340 = arith.andi %eq3A_338, %lt3A_339 : vector<16xi1>
    %or3A_341 = arith.ori %gt3A_337, %and3A_340 : vector<16xi1>
    %select_n3A_342 = arith.select %or3A_341, %scan3A_272#6, %scan3A_272#4 : vector<16xi1>, vector<16xf32>
    %select_n3A_343 = arith.select %or3A_341, %add3A_301, %add3A_294 : vector<16xi1>, vector<16xi32>
    %gt3A_344 = arith.cmpf ogt, %scan3A_272#10, %scan3A_272#8 : vector<16xf32>
    %eq3A_345 = arith.cmpf oeq, %scan3A_272#10, %scan3A_272#8 : vector<16xf32>
    %lt3A_346 = arith.cmpi slt, %add3A_315, %add3A_308 : vector<16xi32>
    %and3A_347 = arith.andi %eq3A_345, %lt3A_346 : vector<16xi1>
    %or3A_348 = arith.ori %gt3A_344, %and3A_347 : vector<16xi1>
    %select_n3A_349 = arith.select %or3A_348, %scan3A_272#10, %scan3A_272#8 : vector<16xi1>, vector<16xf32>
    %select_n3A_350 = arith.select %or3A_348, %add3A_315, %add3A_308 : vector<16xi1>, vector<16xi32>
    %gt3A_351 = arith.cmpf ogt, %scan3A_272#14, %scan3A_272#12 : vector<16xf32>
    %eq3A_352 = arith.cmpf oeq, %scan3A_272#14, %scan3A_272#12 : vector<16xf32>
    %lt3A_353 = arith.cmpi slt, %add3A_329, %add3A_322 : vector<16xi32>
    %and3A_354 = arith.andi %eq3A_352, %lt3A_353 : vector<16xi1>
    %or3A_355 = arith.ori %gt3A_351, %and3A_354 : vector<16xi1>
    %select_n3A_356 = arith.select %or3A_355, %scan3A_272#14, %scan3A_272#12 : vector<16xi1>, vector<16xf32>
    %select_n3A_357 = arith.select %or3A_355, %add3A_329, %add3A_322 : vector<16xi1>, vector<16xi32>
    %gt3A_358 = arith.cmpf ogt, %select_n3A_342, %select_n3A_335 : vector<16xf32>
    %eq3A_359 = arith.cmpf oeq, %select_n3A_342, %select_n3A_335 : vector<16xf32>
    %lt3A_360 = arith.cmpi slt, %select_n3A_343, %select_n3A_336 : vector<16xi32>
    %and3A_361 = arith.andi %eq3A_359, %lt3A_360 : vector<16xi1>
    %or3A_362 = arith.ori %gt3A_358, %and3A_361 : vector<16xi1>
    %select_n3A_363 = arith.select %or3A_362, %select_n3A_342, %select_n3A_335 : vector<16xi1>, vector<16xf32>
    %select_n3A_364 = arith.select %or3A_362, %select_n3A_343, %select_n3A_336 : vector<16xi1>, vector<16xi32>
    %gt3A_365 = arith.cmpf ogt, %select_n3A_356, %select_n3A_349 : vector<16xf32>
    %eq3A_366 = arith.cmpf oeq, %select_n3A_356, %select_n3A_349 : vector<16xf32>
    %lt3A_367 = arith.cmpi slt, %select_n3A_357, %select_n3A_350 : vector<16xi32>
    %and3A_368 = arith.andi %eq3A_366, %lt3A_367 : vector<16xi1>
    %or3A_369 = arith.ori %gt3A_365, %and3A_368 : vector<16xi1>
    %select_n3A_370 = arith.select %or3A_369, %select_n3A_356, %select_n3A_349 : vector<16xi1>, vector<16xf32>
    %select_n3A_371 = arith.select %or3A_369, %select_n3A_357, %select_n3A_350 : vector<16xi1>, vector<16xi32>
    %gt3A_372 = arith.cmpf ogt, %select_n3A_370, %select_n3A_363 : vector<16xf32>
    %eq3A_373 = arith.cmpf oeq, %select_n3A_370, %select_n3A_363 : vector<16xf32>
    %lt3A_374 = arith.cmpi slt, %select_n3A_371, %select_n3A_364 : vector<16xi32>
    %and3A_375 = arith.andi %eq3A_373, %lt3A_374 : vector<16xi1>
    %or3A_376 = arith.ori %gt3A_372, %and3A_375 : vector<16xi1>
    %select_n3A_377 = arith.select %or3A_376, %select_n3A_370, %select_n3A_363 : vector<16xi1>, vector<16xf32>
    %select_n3A_378 = arith.select %or3A_376, %select_n3A_371, %select_n3A_364 : vector<16xi1>, vector<16xi32>
    %xor3A_379 = arith.constant 8 : i32
    %xor3A_380 = vector.broadcast %xor3A_379 : i32 to vector<16xi32>
    %xor3A_381 = arith.xori %iota3A, %xor3A_380 : vector<16xi32>
    %broadcast_in_dim3A_382 = vector.shape_cast %xor3A_381 : vector<16xi32> to vector<16x1xi32>
    %gather3A_383 = vector.shape_cast %broadcast_in_dim3A_382 : vector<16x1xi32> to vector<16xi32>
    %gather3A_384 = tpu.dynamic_gather %select_n3A_377[%gather3A_383] in [0] : vector<16xf32>, vector<16xi32> -> vector<16xf32>
    %broadcast_in_dim3A_385 = vector.shape_cast %xor3A_381 : vector<16xi32> to vector<16x1xi32>
    %gather3A_386 = vector.shape_cast %broadcast_in_dim3A_385 : vector<16x1xi32> to vector<16xi32>
    %gather3A_387 = tpu.dynamic_gather %select_n3A_378[%gather3A_386] in [0] : vector<16xi32>, vector<16xi32> -> vector<16xi32>
    %gt3A_388 = arith.cmpf ogt, %gather3A_384, %select_n3A_377 : vector<16xf32>
    %eq3A_389 = arith.cmpf oeq, %gather3A_384, %select_n3A_377 : vector<16xf32>
    %lt3A_390 = arith.cmpi slt, %gather3A_387, %select_n3A_378 : vector<16xi32>
    %and3A_391 = arith.andi %eq3A_389, %lt3A_390 : vector<16xi1>
    %or3A_392 = arith.ori %gt3A_388, %and3A_391 : vector<16xi1>
    %select_n3A_393 = arith.select %or3A_392, %gather3A_384, %select_n3A_377 : vector<16xi1>, vector<16xf32>
    %select_n3A_394 = arith.select %or3A_392, %gather3A_387, %select_n3A_378 : vector<16xi1>, vector<16xi32>
    %xor3A_395 = arith.constant 4 : i32
    %xor3A_396 = vector.broadcast %xor3A_395 : i32 to vector<16xi32>
    %xor3A_397 = arith.xori %iota3A, %xor3A_396 : vector<16xi32>
    %broadcast_in_dim3A_398 = vector.shape_cast %xor3A_397 : vector<16xi32> to vector<16x1xi32>
    %gather3A_399 = vector.shape_cast %broadcast_in_dim3A_398 : vector<16x1xi32> to vector<16xi32>
    %gather3A_400 = tpu.dynamic_gather %select_n3A_393[%gather3A_399] in [0] : vector<16xf32>, vector<16xi32> -> vector<16xf32>
    %broadcast_in_dim3A_401 = vector.shape_cast %xor3A_397 : vector<16xi32> to vector<16x1xi32>
    %gather3A_402 = vector.shape_cast %broadcast_in_dim3A_401 : vector<16x1xi32> to vector<16xi32>
    %gather3A_403 = tpu.dynamic_gather %select_n3A_394[%gather3A_402] in [0] : vector<16xi32>, vector<16xi32> -> vector<16xi32>
    %gt3A_404 = arith.cmpf ogt, %gather3A_400, %select_n3A_393 : vector<16xf32>
    %eq3A_405 = arith.cmpf oeq, %gather3A_400, %select_n3A_393 : vector<16xf32>
    %lt3A_406 = arith.cmpi slt, %gather3A_403, %select_n3A_394 : vector<16xi32>
    %and3A_407 = arith.andi %eq3A_405, %lt3A_406 : vector<16xi1>
    %or3A_408 = arith.ori %gt3A_404, %and3A_407 : vector<16xi1>
    %select_n3A_409 = arith.select %or3A_408, %gather3A_400, %select_n3A_393 : vector<16xi1>, vector<16xf32>
    %select_n3A_410 = arith.select %or3A_408, %gather3A_403, %select_n3A_394 : vector<16xi1>, vector<16xi32>
    %xor3A_411 = arith.constant 2 : i32
    %xor3A_412 = vector.broadcast %xor3A_411 : i32 to vector<16xi32>
    %xor3A_413 = arith.xori %iota3A, %xor3A_412 : vector<16xi32>
    %broadcast_in_dim3A_414 = vector.shape_cast %xor3A_413 : vector<16xi32> to vector<16x1xi32>
    %gather3A_415 = vector.shape_cast %broadcast_in_dim3A_414 : vector<16x1xi32> to vector<16xi32>
    %gather3A_416 = tpu.dynamic_gather %select_n3A_409[%gather3A_415] in [0] : vector<16xf32>, vector<16xi32> -> vector<16xf32>
    %broadcast_in_dim3A_417 = vector.shape_cast %xor3A_413 : vector<16xi32> to vector<16x1xi32>
    %gather3A_418 = vector.shape_cast %broadcast_in_dim3A_417 : vector<16x1xi32> to vector<16xi32>
    %gather3A_419 = tpu.dynamic_gather %select_n3A_410[%gather3A_418] in [0] : vector<16xi32>, vector<16xi32> -> vector<16xi32>
    %gt3A_420 = arith.cmpf ogt, %gather3A_416, %select_n3A_409 : vector<16xf32>
    %eq3A_421 = arith.cmpf oeq, %gather3A_416, %select_n3A_409 : vector<16xf32>
    %lt3A_422 = arith.cmpi slt, %gather3A_419, %select_n3A_410 : vector<16xi32>
    %and3A_423 = arith.andi %eq3A_421, %lt3A_422 : vector<16xi1>
    %or3A_424 = arith.ori %gt3A_420, %and3A_423 : vector<16xi1>
    %select_n3A_425 = arith.select %or3A_424, %gather3A_416, %select_n3A_409 : vector<16xi1>, vector<16xf32>
    %select_n3A_426 = arith.select %or3A_424, %gather3A_419, %select_n3A_410 : vector<16xi1>, vector<16xi32>
    %xor3A_427 = arith.constant 1 : i32
    %xor3A_428 = vector.broadcast %xor3A_427 : i32 to vector<16xi32>
    %xor3A_429 = arith.xori %iota3A, %xor3A_428 : vector<16xi32>
    %broadcast_in_dim3A_430 = vector.shape_cast %xor3A_429 : vector<16xi32> to vector<16x1xi32>
    %gather3A_431 = vector.shape_cast %broadcast_in_dim3A_430 : vector<16x1xi32> to vector<16xi32>
    %gather3A_432 = tpu.dynamic_gather %select_n3A_425[%gather3A_431] in [0] : vector<16xf32>, vector<16xi32> -> vector<16xf32>
    %broadcast_in_dim3A_433 = vector.shape_cast %xor3A_429 : vector<16xi32> to vector<16x1xi32>
    %gather3A_434 = vector.shape_cast %broadcast_in_dim3A_433 : vector<16x1xi32> to vector<16xi32>
    %gather3A_435 = tpu.dynamic_gather %select_n3A_426[%gather3A_434] in [0] : vector<16xi32>, vector<16xi32> -> vector<16xi32>
    %gt3A_436 = arith.cmpf ogt, %gather3A_432, %select_n3A_425 : vector<16xf32>
    %eq3A_437 = arith.cmpf oeq, %gather3A_432, %select_n3A_425 : vector<16xf32>
    %lt3A_438 = arith.cmpi slt, %gather3A_435, %select_n3A_426 : vector<16xi32>
    %and3A_439 = arith.andi %eq3A_437, %lt3A_438 : vector<16xi1>
    %or3A_440 = arith.ori %gt3A_436, %and3A_439 : vector<16xi1>
    %select_n3A_441 = arith.select %or3A_440, %gather3A_432, %select_n3A_425 : vector<16xi1>, vector<16xf32>
    %select_n3A_442 = arith.select %or3A_440, %gather3A_435, %select_n3A_426 : vector<16xi1>, vector<16xi32>
    %eq3A_443 = arith.constant 1 : i32
    %eq3A_444 = vector.broadcast %eq3A_443 : i32 to vector<16xi32>
    %eq3A_445 = arith.cmpi eq, %iota3A, %eq3A_444 : vector<16xi32>
    %sub3A_446 = arith.constant 1 : i32
    %sub3A_447 = vector.broadcast %sub3A_446 : i32 to vector<16xi32>
    %sub3A_448 = arith.subi %select_n3A_442, %sub3A_447 : vector<16xi32>
    %select_n3A_449 = arith.select %eq3A_445, %sub3A_448, %select_n3A_250 : vector<16xi1>, vector<16xi32>
    %dma_wait3A_450 = arith.constant 2 : i32
    %dma_wait3A_451 = arith.constant 0 : i32
    %dma_wait3A_452 = tpu.memref_slice %arg4[%dma_wait3A_450, %dma_wait3A_451] : memref<4x8192xf32, #tpu.memory_space<vmem>> -> memref<1x8192xf32, #tpu.memory_space<vmem>>
    %dma_wait3A_453 = tpu.memref_squeeze %dma_wait3A_452 : memref<1x8192xf32, #tpu.memory_space<vmem>> -> memref<8192xf32, #tpu.memory_space<vmem>>
    %dma_wait3A_454 = arith.constant 0 : i32
    %dma_wait3A_455 = tpu.memref_slice %arg2[%add3A_33, %dma_wait3A_454] : memref<128x8192xf32, #tpu.memory_space<hbm>> -> memref<1x8192xf32, #tpu.memory_space<hbm>>
    %dma_wait3A_456 = tpu.memref_squeeze %dma_wait3A_455 : memref<1x8192xf32, #tpu.memory_space<hbm>> -> memref<8192xf32, #tpu.memory_space<hbm>>
    %dma_wait3A_457 = arith.constant 0 : i32
    %dma_wait3A_458 = tpu.memref_slice %arg4[%dma_wait3A_450, %dma_wait3A_457] : memref<4x8192xf32, #tpu.memory_space<vmem>> -> memref<1x8192xf32, #tpu.memory_space<vmem>>
    %dma_wait3A_459 = tpu.memref_squeeze %dma_wait3A_458 : memref<1x8192xf32, #tpu.memory_space<vmem>> -> memref<8192xf32, #tpu.memory_space<vmem>>
    %dma_wait3A_460 = arith.constant 0 : i32
    %dma_wait3A_461 = tpu.memref_slice %arg2[%add3A_33, %dma_wait3A_460] : memref<128x8192xf32, #tpu.memory_space<hbm>> -> memref<1x8192xf32, #tpu.memory_space<hbm>>
    %dma_wait3A_462 = tpu.memref_squeeze %dma_wait3A_461 : memref<1x8192xf32, #tpu.memory_space<hbm>> -> memref<8192xf32, #tpu.memory_space<hbm>>
    tpu.wait_dma2 semaphore(%arg8 : memref<!tpu.dma_semaphore, #tpu.memory_space<semaphore_mem>>) src(%dma_wait3A_462 : memref<8192xf32, #tpu.memory_space<hbm>>) dst(%dma_wait3A_459 : memref<8192xf32, #tpu.memory_space<vmem>>)
    %broadcast_in_dim3A_463 = arith.constant 0 : i32
    %broadcast_in_dim3A_464 = vector.broadcast %broadcast_in_dim3A_463 : i32 to vector<16xi32>
    %broadcast_in_dim3A_465 = arith.constant 0xFF800000 : f32
    %broadcast_in_dim3A_466 = vector.broadcast %broadcast_in_dim3A_465 : f32 to vector<16xf32>
    %scan3A_467 = arith.constant 0 : i32
    %scan3A_468 = arith.constant 64 : i32
    %scan3A_469 = arith.addi %scan3A_467, %scan3A_468 : i32
    %scan3A_470 = arith.constant 1 : i32
    %scan3A_471:17 = scf.for %scan3A_851 = %scan3A_467 to %scan3A_469 step %scan3A_470 iter_args(%scan3A_852 = %broadcast_in_dim3A_466, %scan3A_853 = %broadcast_in_dim3A_464, %scan3A_854 = %broadcast_in_dim3A_466, %scan3A_855 = %broadcast_in_dim3A_464, %scan3A_856 = %broadcast_in_dim3A_466, %scan3A_857 = %broadcast_in_dim3A_464, %scan3A_858 = %broadcast_in_dim3A_466, %scan3A_859 = %broadcast_in_dim3A_464, %scan3A_860 = %broadcast_in_dim3A_466, %scan3A_861 = %broadcast_in_dim3A_464, %scan3A_862 = %broadcast_in_dim3A_466, %scan3A_863 = %broadcast_in_dim3A_464, %scan3A_864 = %broadcast_in_dim3A_466, %scan3A_865 = %broadcast_in_dim3A_464, %scan3A_866 = %broadcast_in_dim3A_466, %scan3A_867 = %broadcast_in_dim3A_464, %scan3A_868 = %broadcast_in_dim3A_464) -> (vector<16xf32>, vector<16xi32>, vector<16xf32>, vector<16xi32>, vector<16xf32>, vector<16xi32>, vector<16xf32>, vector<16xi32>, vector<16xf32>, vector<16xi32>, vector<16xf32>, vector<16xi32>, vector<16xf32>, vector<16xi32>, vector<16xf32>, vector<16xi32>, vector<16xi32>)  : i32 {
      %mul3A_869 = arith.constant 128 : i32
      %mul3A_870 = arith.muli %scan3A_851, %mul3A_869 : i32
      %add3A_871 = arith.constant 0 : i32
      %add3A_872 = arith.addi %mul3A_870, %add3A_871 : i32
      %get3A = arith.constant 2 : i32
      %get3A_873 = arith.index_cast %get3A : i32 to index
      %get3A_874 = arith.index_cast %add3A_872 : i32 to index
      %get3A_875 = tpu.vector_load %arg4[%get3A_873, %get3A_874] {strides = array<i32>} : memref<4x8192xf32, #tpu.memory_space<vmem>>, vector<1x16xf32>,
      %get3A_876 = vector.shape_cast %get3A_875 : vector<1x16xf32> to vector<16xf32>
      %gt3A_877 = arith.cmpf ogt, %get3A_876, %scan3A_852 : vector<16xf32>
      %select_n3A_878 = arith.select %gt3A_877, %get3A_876, %scan3A_852 : vector<16xi1>, vector<16xf32>
      %select_n3A_879 = arith.select %gt3A_877, %scan3A_868, %scan3A_853 : vector<16xi1>, vector<16xi32>
      %add3A_880 = arith.constant 16 : i32
      %add3A_881 = arith.addi %mul3A_870, %add3A_880 : i32
      %get3A_882 = arith.constant 2 : i32
      %get3A_883 = arith.index_cast %get3A_882 : i32 to index
      %get3A_884 = arith.index_cast %add3A_881 : i32 to index
      %get3A_885 = tpu.vector_load %arg4[%get3A_883, %get3A_884] {strides = array<i32>} : memref<4x8192xf32, #tpu.memory_space<vmem>>, vector<1x16xf32>,
      %get3A_886 = vector.shape_cast %get3A_885 : vector<1x16xf32> to vector<16xf32>
      %gt3A_887 = arith.cmpf ogt, %get3A_886, %scan3A_854 : vector<16xf32>
      %select_n3A_888 = arith.select %gt3A_887, %get3A_886, %scan3A_854 : vector<16xi1>, vector<16xf32>
      %select_n3A_889 = arith.select %gt3A_887, %scan3A_868, %scan3A_855 : vector<16xi1>, vector<16xi32>
      %add3A_890 = arith.constant 32 : i32
      %add3A_891 = arith.addi %mul3A_870, %add3A_890 : i32
      %get3A_892 = arith.constant 2 : i32
      %get3A_893 = arith.index_cast %get3A_892 : i32 to index
      %get3A_894 = arith.index_cast %add3A_891 : i32 to index
      %get3A_895 = tpu.vector_load %arg4[%get3A_893, %get3A_894] {strides = array<i32>} : memref<4x8192xf32, #tpu.memory_space<vmem>>, vector<1x16xf32>,
      %get3A_896 = vector.shape_cast %get3A_895 : vector<1x16xf32> to vector<16xf32>
      %gt3A_897 = arith.cmpf ogt, %get3A_896, %scan3A_856 : vector<16xf32>
      %select_n3A_898 = arith.select %gt3A_897, %get3A_896, %scan3A_856 : vector<16xi1>, vector<16xf32>
      %select_n3A_899 = arith.select %gt3A_897, %scan3A_868, %scan3A_857 : vector<16xi1>, vector<16xi32>
      %add3A_900 = arith.constant 48 : i32
      %add3A_901 = arith.addi %mul3A_870, %add3A_900 : i32
      %get3A_902 = arith.constant 2 : i32
      %get3A_903 = arith.index_cast %get3A_902 : i32 to index
      %get3A_904 = arith.index_cast %add3A_901 : i32 to index
      %get3A_905 = tpu.vector_load %arg4[%get3A_903, %get3A_904] {strides = array<i32>} : memref<4x8192xf32, #tpu.memory_space<vmem>>, vector<1x16xf32>,
      %get3A_906 = vector.shape_cast %get3A_905 : vector<1x16xf32> to vector<16xf32>
      %gt3A_907 = arith.cmpf ogt, %get3A_906, %scan3A_858 : vector<16xf32>
      %select_n3A_908 = arith.select %gt3A_907, %get3A_906, %scan3A_858 : vector<16xi1>, vector<16xf32>
      %select_n3A_909 = arith.select %gt3A_907, %scan3A_868, %scan3A_859 : vector<16xi1>, vector<16xi32>
      %add3A_910 = arith.constant 64 : i32
      %add3A_911 = arith.addi %mul3A_870, %add3A_910 : i32
      %get3A_912 = arith.constant 2 : i32
      %get3A_913 = arith.index_cast %get3A_912 : i32 to index
      %get3A_914 = arith.index_cast %add3A_911 : i32 to index
      %get3A_915 = tpu.vector_load %arg4[%get3A_913, %get3A_914] {strides = array<i32>} : memref<4x8192xf32, #tpu.memory_space<vmem>>, vector<1x16xf32>,
      %get3A_916 = vector.shape_cast %get3A_915 : vector<1x16xf32> to vector<16xf32>
      %gt3A_917 = arith.cmpf ogt, %get3A_916, %scan3A_860 : vector<16xf32>
      %select_n3A_918 = arith.select %gt3A_917, %get3A_916, %scan3A_860 : vector<16xi1>, vector<16xf32>
      %select_n3A_919 = arith.select %gt3A_917, %scan3A_868, %scan3A_861 : vector<16xi1>, vector<16xi32>
      %add3A_920 = arith.constant 80 : i32
      %add3A_921 = arith.addi %mul3A_870, %add3A_920 : i32
      %get3A_922 = arith.constant 2 : i32
      %get3A_923 = arith.index_cast %get3A_922 : i32 to index
      %get3A_924 = arith.index_cast %add3A_921 : i32 to index
      %get3A_925 = tpu.vector_load %arg4[%get3A_923, %get3A_924] {strides = array<i32>} : memref<4x8192xf32, #tpu.memory_space<vmem>>, vector<1x16xf32>,
      %get3A_926 = vector.shape_cast %get3A_925 : vector<1x16xf32> to vector<16xf32>
      %gt3A_927 = arith.cmpf ogt, %get3A_926, %scan3A_862 : vector<16xf32>
      %select_n3A_928 = arith.select %gt3A_927, %get3A_926, %scan3A_862 : vector<16xi1>, vector<16xf32>
      %select_n3A_929 = arith.select %gt3A_927, %scan3A_868, %scan3A_863 : vector<16xi1>, vector<16xi32>
      %add3A_930 = arith.constant 96 : i32
      %add3A_931 = arith.addi %mul3A_870, %add3A_930 : i32
      %get3A_932 = arith.constant 2 : i32
      %get3A_933 = arith.index_cast %get3A_932 : i32 to index
      %get3A_934 = arith.index_cast %add3A_931 : i32 to index
      %get3A_935 = tpu.vector_load %arg4[%get3A_933, %get3A_934] {strides = array<i32>} : memref<4x8192xf32, #tpu.memory_space<vmem>>, vector<1x16xf32>,
      %get3A_936 = vector.shape_cast %get3A_935 : vector<1x16xf32> to vector<16xf32>
      %gt3A_937 = arith.cmpf ogt, %get3A_936, %scan3A_864 : vector<16xf32>
      %select_n3A_938 = arith.select %gt3A_937, %get3A_936, %scan3A_864 : vector<16xi1>, vector<16xf32>
      %select_n3A_939 = arith.select %gt3A_937, %scan3A_868, %scan3A_865 : vector<16xi1>, vector<16xi32>
      %add3A_940 = arith.constant 112 : i32
      %add3A_941 = arith.addi %mul3A_870, %add3A_940 : i32
      %get3A_942 = arith.constant 2 : i32
      %get3A_943 = arith.index_cast %get3A_942 : i32 to index
      %get3A_944 = arith.index_cast %add3A_941 : i32 to index
      %get3A_945 = tpu.vector_load %arg4[%get3A_943, %get3A_944] {strides = array<i32>} : memref<4x8192xf32, #tpu.memory_space<vmem>>, vector<1x16xf32>,
      %get3A_946 = vector.shape_cast %get3A_945 : vector<1x16xf32> to vector<16xf32>
      %gt3A_947 = arith.cmpf ogt, %get3A_946, %scan3A_866 : vector<16xf32>
      %select_n3A_948 = arith.select %gt3A_947, %get3A_946, %scan3A_866 : vector<16xi1>, vector<16xf32>
      %select_n3A_949 = arith.select %gt3A_947, %scan3A_868, %scan3A_867 : vector<16xi1>, vector<16xi32>
      %add3A_950 = arith.constant 1 : i32
      %add3A_951 = vector.broadcast %add3A_950 : i32 to vector<16xi32>
      %add3A_952 = arith.addi %scan3A_868, %add3A_951 : vector<16xi32>
      scf.yield %select_n3A_878, %select_n3A_879, %select_n3A_888, %select_n3A_889, %select_n3A_898, %select_n3A_899, %select_n3A_908, %select_n3A_909, %select_n3A_918, %select_n3A_919, %select_n3A_928, %select_n3A_929, %select_n3A_938, %select_n3A_939, %select_n3A_948, %select_n3A_949, %add3A_952 : vector<16xf32>, vector<16xi32>, vector<16xf32>, vector<16xi32>, vector<16xf32>, vector<16xi32>, vector<16xf32>, vector<16xi32>, vector<16xf32>, vector<16xi32>, vector<16xf32>, vector<16xi32>, vector<16xf32>, vector<16xi32>, vector<16xf32>, vector<16xi32>, vector<16xi32>
    }
    %scan3A_472 = arith.constant 64 : i32
    %mul3A_473 = arith.constant 128 : i32
    %mul3A_474 = vector.broadcast %mul3A_473 : i32 to vector<16xi32>
    %mul3A_475 = arith.muli %scan3A_471#1, %mul3A_474 : vector<16xi32>
    %add3A_476 = arith.constant 0 : i32
    %add3A_477 = vector.broadcast %add3A_476 : i32 to vector<16xi32>
    %add3A_478 = arith.addi %mul3A_475, %add3A_477 : vector<16xi32>
    %add3A_479 = arith.addi %add3A_478, %iota3A : vector<16xi32>
    %mul3A_480 = arith.constant 128 : i32
    %mul3A_481 = vector.broadcast %mul3A_480 : i32 to vector<16xi32>
    %mul3A_482 = arith.muli %scan3A_471#3, %mul3A_481 : vector<16xi32>
    %add3A_483 = arith.constant 16 : i32
    %add3A_484 = vector.broadcast %add3A_483 : i32 to vector<16xi32>
    %add3A_485 = arith.addi %mul3A_482, %add3A_484 : vector<16xi32>
    %add3A_486 = arith.addi %add3A_485, %iota3A : vector<16xi32>
    %mul3A_487 = arith.constant 128 : i32
    %mul3A_488 = vector.broadcast %mul3A_487 : i32 to vector<16xi32>
    %mul3A_489 = arith.muli %scan3A_471#5, %mul3A_488 : vector<16xi32>
    %add3A_490 = arith.constant 32 : i32
    %add3A_491 = vector.broadcast %add3A_490 : i32 to vector<16xi32>
    %add3A_492 = arith.addi %mul3A_489, %add3A_491 : vector<16xi32>
    %add3A_493 = arith.addi %add3A_492, %iota3A : vector<16xi32>
    %mul3A_494 = arith.constant 128 : i32
    %mul3A_495 = vector.broadcast %mul3A_494 : i32 to vector<16xi32>
    %mul3A_496 = arith.muli %scan3A_471#7, %mul3A_495 : vector<16xi32>
    %add3A_497 = arith.constant 48 : i32
    %add3A_498 = vector.broadcast %add3A_497 : i32 to vector<16xi32>
    %add3A_499 = arith.addi %mul3A_496, %add3A_498 : vector<16xi32>
    %add3A_500 = arith.addi %add3A_499, %iota3A : vector<16xi32>
    %mul3A_501 = arith.constant 128 : i32
    %mul3A_502 = vector.broadcast %mul3A_501 : i32 to vector<16xi32>
    %mul3A_503 = arith.muli %scan3A_471#9, %mul3A_502 : vector<16xi32>
    %add3A_504 = arith.constant 64 : i32
    %add3A_505 = vector.broadcast %add3A_504 : i32 to vector<16xi32>
    %add3A_506 = arith.addi %mul3A_503, %add3A_505 : vector<16xi32>
    %add3A_507 = arith.addi %add3A_506, %iota3A : vector<16xi32>
    %mul3A_508 = arith.constant 128 : i32
    %mul3A_509 = vector.broadcast %mul3A_508 : i32 to vector<16xi32>
    %mul3A_510 = arith.muli %scan3A_471#11, %mul3A_509 : vector<16xi32>
    %add3A_511 = arith.constant 80 : i32
    %add3A_512 = vector.broadcast %add3A_511 : i32 to vector<16xi32>
    %add3A_513 = arith.addi %mul3A_510, %add3A_512 : vector<16xi32>
    %add3A_514 = arith.addi %add3A_513, %iota3A : vector<16xi32>
    %mul3A_515 = arith.constant 128 : i32
    %mul3A_516 = vector.broadcast %mul3A_515 : i32 to vector<16xi32>
    %mul3A_517 = arith.muli %scan3A_471#13, %mul3A_516 : vector<16xi32>
    %add3A_518 = arith.constant 96 : i32
    %add3A_519 = vector.broadcast %add3A_518 : i32 to vector<16xi32>
    %add3A_520 = arith.addi %mul3A_517, %add3A_519 : vector<16xi32>
    %add3A_521 = arith.addi %add3A_520, %iota3A : vector<16xi32>
    %mul3A_522 = arith.constant 128 : i32
    %mul3A_523 = vector.broadcast %mul3A_522 : i32 to vector<16xi32>
    %mul3A_524 = arith.muli %scan3A_471#15, %mul3A_523 : vector<16xi32>
    %add3A_525 = arith.constant 112 : i32
    %add3A_526 = vector.broadcast %add3A_525 : i32 to vector<16xi32>
    %add3A_527 = arith.addi %mul3A_524, %add3A_526 : vector<16xi32>
    %add3A_528 = arith.addi %add3A_527, %iota3A : vector<16xi32>
    %gt3A_529 = arith.cmpf ogt, %scan3A_471#2, %scan3A_471#0 : vector<16xf32>
    %eq3A_530 = arith.cmpf oeq, %scan3A_471#2, %scan3A_471#0 : vector<16xf32>
    %lt3A_531 = arith.cmpi slt, %add3A_486, %add3A_479 : vector<16xi32>
    %and3A_532 = arith.andi %eq3A_530, %lt3A_531 : vector<16xi1>
    %or3A_533 = arith.ori %gt3A_529, %and3A_532 : vector<16xi1>
    %select_n3A_534 = arith.select %or3A_533, %scan3A_471#2, %scan3A_471#0 : vector<16xi1>, vector<16xf32>
    %select_n3A_535 = arith.select %or3A_533, %add3A_486, %add3A_479 : vector<16xi1>, vector<16xi32>
    %gt3A_536 = arith.cmpf ogt, %scan3A_471#6, %scan3A_471#4 : vector<16xf32>
    %eq3A_537 = arith.cmpf oeq, %scan3A_471#6, %scan3A_471#4 : vector<16xf32>
    %lt3A_538 = arith.cmpi slt, %add3A_500, %add3A_493 : vector<16xi32>
    %and3A_539 = arith.andi %eq3A_537, %lt3A_538 : vector<16xi1>
    %or3A_540 = arith.ori %gt3A_536, %and3A_539 : vector<16xi1>
    %select_n3A_541 = arith.select %or3A_540, %scan3A_471#6, %scan3A_471#4 : vector<16xi1>, vector<16xf32>
    %select_n3A_542 = arith.select %or3A_540, %add3A_500, %add3A_493 : vector<16xi1>, vector<16xi32>
    %gt3A_543 = arith.cmpf ogt, %scan3A_471#10, %scan3A_471#8 : vector<16xf32>
    %eq3A_544 = arith.cmpf oeq, %scan3A_471#10, %scan3A_471#8 : vector<16xf32>
    %lt3A_545 = arith.cmpi slt, %add3A_514, %add3A_507 : vector<16xi32>
    %and3A_546 = arith.andi %eq3A_544, %lt3A_545 : vector<16xi1>
    %or3A_547 = arith.ori %gt3A_543, %and3A_546 : vector<16xi1>
    %select_n3A_548 = arith.select %or3A_547, %scan3A_471#10, %scan3A_471#8 : vector<16xi1>, vector<16xf32>
    %select_n3A_549 = arith.select %or3A_547, %add3A_514, %add3A_507 : vector<16xi1>, vector<16xi32>
    %gt3A_550 = arith.cmpf ogt, %scan3A_471#14, %scan3A_471#12 : vector<16xf32>
    %eq3A_551 = arith.cmpf oeq, %scan3A_471#14, %scan3A_471#12 : vector<16xf32>
    %lt3A_552 = arith.cmpi slt, %add3A_528, %add3A_521 : vector<16xi32>
    %and3A_553 = arith.andi %eq3A_551, %lt3A_552 : vector<16xi1>
    %or3A_554 = arith.ori %gt3A_550, %and3A_553 : vector<16xi1>
    %select_n3A_555 = arith.select %or3A_554, %scan3A_471#14, %scan3A_471#12 : vector<16xi1>, vector<16xf32>
    %select_n3A_556 = arith.select %or3A_554, %add3A_528, %add3A_521 : vector<16xi1>, vector<16xi32>
    %gt3A_557 = arith.cmpf ogt, %select_n3A_541, %select_n3A_534 : vector<16xf32>
    %eq3A_558 = arith.cmpf oeq, %select_n3A_541, %select_n3A_534 : vector<16xf32>
    %lt3A_559 = arith.cmpi slt, %select_n3A_542, %select_n3A_535 : vector<16xi32>
    %and3A_560 = arith.andi %eq3A_558, %lt3A_559 : vector<16xi1>
    %or3A_561 = arith.ori %gt3A_557, %and3A_560 : vector<16xi1>
    %select_n3A_562 = arith.select %or3A_561, %select_n3A_541, %select_n3A_534 : vector<16xi1>, vector<16xf32>
    %select_n3A_563 = arith.select %or3A_561, %select_n3A_542, %select_n3A_535 : vector<16xi1>, vector<16xi32>
    %gt3A_564 = arith.cmpf ogt, %select_n3A_555, %select_n3A_548 : vector<16xf32>
    %eq3A_565 = arith.cmpf oeq, %select_n3A_555, %select_n3A_548 : vector<16xf32>
    %lt3A_566 = arith.cmpi slt, %select_n3A_556, %select_n3A_549 : vector<16xi32>
    %and3A_567 = arith.andi %eq3A_565, %lt3A_566 : vector<16xi1>
    %or3A_568 = arith.ori %gt3A_564, %and3A_567 : vector<16xi1>
    %select_n3A_569 = arith.select %or3A_568, %select_n3A_555, %select_n3A_548 : vector<16xi1>, vector<16xf32>
    %select_n3A_570 = arith.select %or3A_568, %select_n3A_556, %select_n3A_549 : vector<16xi1>, vector<16xi32>
    %gt3A_571 = arith.cmpf ogt, %select_n3A_569, %select_n3A_562 : vector<16xf32>
    %eq3A_572 = arith.cmpf oeq, %select_n3A_569, %select_n3A_562 : vector<16xf32>
    %lt3A_573 = arith.cmpi slt, %select_n3A_570, %select_n3A_563 : vector<16xi32>
    %and3A_574 = arith.andi %eq3A_572, %lt3A_573 : vector<16xi1>
    %or3A_575 = arith.ori %gt3A_571, %and3A_574 : vector<16xi1>
    %select_n3A_576 = arith.select %or3A_575, %select_n3A_569, %select_n3A_562 : vector<16xi1>, vector<16xf32>
    %select_n3A_577 = arith.select %or3A_575, %select_n3A_570, %select_n3A_563 : vector<16xi1>, vector<16xi32>
    %xor3A_578 = arith.constant 8 : i32
    %xor3A_579 = vector.broadcast %xor3A_578 : i32 to vector<16xi32>
    %xor3A_580 = arith.xori %iota3A, %xor3A_579 : vector<16xi32>
    %broadcast_in_dim3A_581 = vector.shape_cast %xor3A_580 : vector<16xi32> to vector<16x1xi32>
    %gather3A_582 = vector.shape_cast %broadcast_in_dim3A_581 : vector<16x1xi32> to vector<16xi32>
    %gather3A_583 = tpu.dynamic_gather %select_n3A_576[%gather3A_582] in [0] : vector<16xf32>, vector<16xi32> -> vector<16xf32>
    %broadcast_in_dim3A_584 = vector.shape_cast %xor3A_580 : vector<16xi32> to vector<16x1xi32>
    %gather3A_585 = vector.shape_cast %broadcast_in_dim3A_584 : vector<16x1xi32> to vector<16xi32>
    %gather3A_586 = tpu.dynamic_gather %select_n3A_577[%gather3A_585] in [0] : vector<16xi32>, vector<16xi32> -> vector<16xi32>
    %gt3A_587 = arith.cmpf ogt, %gather3A_583, %select_n3A_576 : vector<16xf32>
    %eq3A_588 = arith.cmpf oeq, %gather3A_583, %select_n3A_576 : vector<16xf32>
    %lt3A_589 = arith.cmpi slt, %gather3A_586, %select_n3A_577 : vector<16xi32>
    %and3A_590 = arith.andi %eq3A_588, %lt3A_589 : vector<16xi1>
    %or3A_591 = arith.ori %gt3A_587, %and3A_590 : vector<16xi1>
    %select_n3A_592 = arith.select %or3A_591, %gather3A_583, %select_n3A_576 : vector<16xi1>, vector<16xf32>
    %select_n3A_593 = arith.select %or3A_591, %gather3A_586, %select_n3A_577 : vector<16xi1>, vector<16xi32>
    %xor3A_594 = arith.constant 4 : i32
    %xor3A_595 = vector.broadcast %xor3A_594 : i32 to vector<16xi32>
    %xor3A_596 = arith.xori %iota3A, %xor3A_595 : vector<16xi32>
    %broadcast_in_dim3A_597 = vector.shape_cast %xor3A_596 : vector<16xi32> to vector<16x1xi32>
    %gather3A_598 = vector.shape_cast %broadcast_in_dim3A_597 : vector<16x1xi32> to vector<16xi32>
    %gather3A_599 = tpu.dynamic_gather %select_n3A_592[%gather3A_598] in [0] : vector<16xf32>, vector<16xi32> -> vector<16xf32>
    %broadcast_in_dim3A_600 = vector.shape_cast %xor3A_596 : vector<16xi32> to vector<16x1xi32>
    %gather3A_601 = vector.shape_cast %broadcast_in_dim3A_600 : vector<16x1xi32> to vector<16xi32>
    %gather3A_602 = tpu.dynamic_gather %select_n3A_593[%gather3A_601] in [0] : vector<16xi32>, vector<16xi32> -> vector<16xi32>
    %gt3A_603 = arith.cmpf ogt, %gather3A_599, %select_n3A_592 : vector<16xf32>
    %eq3A_604 = arith.cmpf oeq, %gather3A_599, %select_n3A_592 : vector<16xf32>
    %lt3A_605 = arith.cmpi slt, %gather3A_602, %select_n3A_593 : vector<16xi32>
    %and3A_606 = arith.andi %eq3A_604, %lt3A_605 : vector<16xi1>
    %or3A_607 = arith.ori %gt3A_603, %and3A_606 : vector<16xi1>
    %select_n3A_608 = arith.select %or3A_607, %gather3A_599, %select_n3A_592 : vector<16xi1>, vector<16xf32>
    %select_n3A_609 = arith.select %or3A_607, %gather3A_602, %select_n3A_593 : vector<16xi1>, vector<16xi32>
    %xor3A_610 = arith.constant 2 : i32
    %xor3A_611 = vector.broadcast %xor3A_610 : i32 to vector<16xi32>
    %xor3A_612 = arith.xori %iota3A, %xor3A_611 : vector<16xi32>
    %broadcast_in_dim3A_613 = vector.shape_cast %xor3A_612 : vector<16xi32> to vector<16x1xi32>
    %gather3A_614 = vector.shape_cast %broadcast_in_dim3A_613 : vector<16x1xi32> to vector<16xi32>
    %gather3A_615 = tpu.dynamic_gather %select_n3A_608[%gather3A_614] in [0] : vector<16xf32>, vector<16xi32> -> vector<16xf32>
    %broadcast_in_dim3A_616 = vector.shape_cast %xor3A_612 : vector<16xi32> to vector<16x1xi32>
    %gather3A_617 = vector.shape_cast %broadcast_in_dim3A_616 : vector<16x1xi32> to vector<16xi32>
    %gather3A_618 = tpu.dynamic_gather %select_n3A_609[%gather3A_617] in [0] : vector<16xi32>, vector<16xi32> -> vector<16xi32>
    %gt3A_619 = arith.cmpf ogt, %gather3A_615, %select_n3A_608 : vector<16xf32>
    %eq3A_620 = arith.cmpf oeq, %gather3A_615, %select_n3A_608 : vector<16xf32>
    %lt3A_621 = arith.cmpi slt, %gather3A_618, %select_n3A_609 : vector<16xi32>
    %and3A_622 = arith.andi %eq3A_620, %lt3A_621 : vector<16xi1>
    %or3A_623 = arith.ori %gt3A_619, %and3A_622 : vector<16xi1>
    %select_n3A_624 = arith.select %or3A_623, %gather3A_615, %select_n3A_608 : vector<16xi1>, vector<16xf32>
    %select_n3A_625 = arith.select %or3A_623, %gather3A_618, %select_n3A_609 : vector<16xi1>, vector<16xi32>
    %xor3A_626 = arith.constant 1 : i32
    %xor3A_627 = vector.broadcast %xor3A_626 : i32 to vector<16xi32>
    %xor3A_628 = arith.xori %iota3A, %xor3A_627 : vector<16xi32>
    %broadcast_in_dim3A_629 = vector.shape_cast %xor3A_628 : vector<16xi32> to vector<16x1xi32>
    %gather3A_630 = vector.shape_cast %broadcast_in_dim3A_629 : vector<16x1xi32> to vector<16xi32>
    %gather3A_631 = tpu.dynamic_gather %select_n3A_624[%gather3A_630] in [0] : vector<16xf32>, vector<16xi32> -> vector<16xf32>
    %broadcast_in_dim3A_632 = vector.shape_cast %xor3A_628 : vector<16xi32> to vector<16x1xi32>
    %gather3A_633 = vector.shape_cast %broadcast_in_dim3A_632 : vector<16x1xi32> to vector<16xi32>
    %gather3A_634 = tpu.dynamic_gather %select_n3A_625[%gather3A_633] in [0] : vector<16xi32>, vector<16xi32> -> vector<16xi32>
    %gt3A_635 = arith.cmpf ogt, %gather3A_631, %select_n3A_624 : vector<16xf32>
    %eq3A_636 = arith.cmpf oeq, %gather3A_631, %select_n3A_624 : vector<16xf32>
    %lt3A_637 = arith.cmpi slt, %gather3A_634, %select_n3A_625 : vector<16xi32>
    %and3A_638 = arith.andi %eq3A_636, %lt3A_637 : vector<16xi1>
    %or3A_639 = arith.ori %gt3A_635, %and3A_638 : vector<16xi1>
    %select_n3A_640 = arith.select %or3A_639, %gather3A_631, %select_n3A_624 : vector<16xi1>, vector<16xf32>
    %select_n3A_641 = arith.select %or3A_639, %gather3A_634, %select_n3A_625 : vector<16xi1>, vector<16xi32>
    %eq3A_642 = arith.constant 2 : i32
    %eq3A_643 = vector.broadcast %eq3A_642 : i32 to vector<16xi32>
    %eq3A_644 = arith.cmpi eq, %iota3A, %eq3A_643 : vector<16xi32>
    %sub3A_645 = arith.constant 1 : i32
    %sub3A_646 = vector.broadcast %sub3A_645 : i32 to vector<16xi32>
    %sub3A_647 = arith.subi %select_n3A_641, %sub3A_646 : vector<16xi32>
    %select_n3A_648 = arith.select %eq3A_644, %sub3A_647, %select_n3A_449 : vector<16xi1>, vector<16xi32>
    %dma_wait3A_649 = arith.constant 3 : i32
    %dma_wait3A_650 = arith.constant 0 : i32
    %dma_wait3A_651 = tpu.memref_slice %arg4[%dma_wait3A_649, %dma_wait3A_650] : memref<4x8192xf32, #tpu.memory_space<vmem>> -> memref<1x8192xf32, #tpu.memory_space<vmem>>
    %dma_wait3A_652 = tpu.memref_squeeze %dma_wait3A_651 : memref<1x8192xf32, #tpu.memory_space<vmem>> -> memref<8192xf32, #tpu.memory_space<vmem>>
    %dma_wait3A_653 = arith.constant 0 : i32
    %dma_wait3A_654 = tpu.memref_slice %arg2[%add3A_48, %dma_wait3A_653] : memref<128x8192xf32, #tpu.memory_space<hbm>> -> memref<1x8192xf32, #tpu.memory_space<hbm>>
    %dma_wait3A_655 = tpu.memref_squeeze %dma_wait3A_654 : memref<1x8192xf32, #tpu.memory_space<hbm>> -> memref<8192xf32, #tpu.memory_space<hbm>>
    %dma_wait3A_656 = arith.constant 0 : i32
    %dma_wait3A_657 = tpu.memref_slice %arg4[%dma_wait3A_649, %dma_wait3A_656] : memref<4x8192xf32, #tpu.memory_space<vmem>> -> memref<1x8192xf32, #tpu.memory_space<vmem>>
    %dma_wait3A_658 = tpu.memref_squeeze %dma_wait3A_657 : memref<1x8192xf32, #tpu.memory_space<vmem>> -> memref<8192xf32, #tpu.memory_space<vmem>>
    %dma_wait3A_659 = arith.constant 0 : i32
    %dma_wait3A_660 = tpu.memref_slice %arg2[%add3A_48, %dma_wait3A_659] : memref<128x8192xf32, #tpu.memory_space<hbm>> -> memref<1x8192xf32, #tpu.memory_space<hbm>>
    %dma_wait3A_661 = tpu.memref_squeeze %dma_wait3A_660 : memref<1x8192xf32, #tpu.memory_space<hbm>> -> memref<8192xf32, #tpu.memory_space<hbm>>
    tpu.wait_dma2 semaphore(%arg9 : memref<!tpu.dma_semaphore, #tpu.memory_space<semaphore_mem>>) src(%dma_wait3A_661 : memref<8192xf32, #tpu.memory_space<hbm>>) dst(%dma_wait3A_658 : memref<8192xf32, #tpu.memory_space<vmem>>)
    %broadcast_in_dim3A_662 = arith.constant 0 : i32
    %broadcast_in_dim3A_663 = vector.broadcast %broadcast_in_dim3A_662 : i32 to vector<16xi32>
    %broadcast_in_dim3A_664 = arith.constant 0xFF800000 : f32
    %broadcast_in_dim3A_665 = vector.broadcast %broadcast_in_dim3A_664 : f32 to vector<16xf32>
    %scan3A_666 = arith.constant 0 : i32
    %scan3A_667 = arith.constant 64 : i32
    %scan3A_668 = arith.addi %scan3A_666, %scan3A_667 : i32
    %scan3A_669 = arith.constant 1 : i32
    %scan3A_670:17 = scf.for %scan3A_851 = %scan3A_666 to %scan3A_668 step %scan3A_669 iter_args(%scan3A_852 = %broadcast_in_dim3A_665, %scan3A_853 = %broadcast_in_dim3A_663, %scan3A_854 = %broadcast_in_dim3A_665, %scan3A_855 = %broadcast_in_dim3A_663, %scan3A_856 = %broadcast_in_dim3A_665, %scan3A_857 = %broadcast_in_dim3A_663, %scan3A_858 = %broadcast_in_dim3A_665, %scan3A_859 = %broadcast_in_dim3A_663, %scan3A_860 = %broadcast_in_dim3A_665, %scan3A_861 = %broadcast_in_dim3A_663, %scan3A_862 = %broadcast_in_dim3A_665, %scan3A_863 = %broadcast_in_dim3A_663, %scan3A_864 = %broadcast_in_dim3A_665, %scan3A_865 = %broadcast_in_dim3A_663, %scan3A_866 = %broadcast_in_dim3A_665, %scan3A_867 = %broadcast_in_dim3A_663, %scan3A_868 = %broadcast_in_dim3A_663) -> (vector<16xf32>, vector<16xi32>, vector<16xf32>, vector<16xi32>, vector<16xf32>, vector<16xi32>, vector<16xf32>, vector<16xi32>, vector<16xf32>, vector<16xi32>, vector<16xf32>, vector<16xi32>, vector<16xf32>, vector<16xi32>, vector<16xf32>, vector<16xi32>, vector<16xi32>)  : i32 {
      %mul3A_869 = arith.constant 128 : i32
      %mul3A_870 = arith.muli %scan3A_851, %mul3A_869 : i32
      %add3A_871 = arith.constant 0 : i32
      %add3A_872 = arith.addi %mul3A_870, %add3A_871 : i32
      %get3A = arith.constant 3 : i32
      %get3A_873 = arith.index_cast %get3A : i32 to index
      %get3A_874 = arith.index_cast %add3A_872 : i32 to index
      %get3A_875 = tpu.vector_load %arg4[%get3A_873, %get3A_874] {strides = array<i32>} : memref<4x8192xf32, #tpu.memory_space<vmem>>, vector<1x16xf32>,
      %get3A_876 = vector.shape_cast %get3A_875 : vector<1x16xf32> to vector<16xf32>
      %gt3A_877 = arith.cmpf ogt, %get3A_876, %scan3A_852 : vector<16xf32>
      %select_n3A_878 = arith.select %gt3A_877, %get3A_876, %scan3A_852 : vector<16xi1>, vector<16xf32>
      %select_n3A_879 = arith.select %gt3A_877, %scan3A_868, %scan3A_853 : vector<16xi1>, vector<16xi32>
      %add3A_880 = arith.constant 16 : i32
      %add3A_881 = arith.addi %mul3A_870, %add3A_880 : i32
      %get3A_882 = arith.constant 3 : i32
      %get3A_883 = arith.index_cast %get3A_882 : i32 to index
      %get3A_884 = arith.index_cast %add3A_881 : i32 to index
      %get3A_885 = tpu.vector_load %arg4[%get3A_883, %get3A_884] {strides = array<i32>} : memref<4x8192xf32, #tpu.memory_space<vmem>>, vector<1x16xf32>,
      %get3A_886 = vector.shape_cast %get3A_885 : vector<1x16xf32> to vector<16xf32>
      %gt3A_887 = arith.cmpf ogt, %get3A_886, %scan3A_854 : vector<16xf32>
      %select_n3A_888 = arith.select %gt3A_887, %get3A_886, %scan3A_854 : vector<16xi1>, vector<16xf32>
      %select_n3A_889 = arith.select %gt3A_887, %scan3A_868, %scan3A_855 : vector<16xi1>, vector<16xi32>
      %add3A_890 = arith.constant 32 : i32
      %add3A_891 = arith.addi %mul3A_870, %add3A_890 : i32
      %get3A_892 = arith.constant 3 : i32
      %get3A_893 = arith.index_cast %get3A_892 : i32 to index
      %get3A_894 = arith.index_cast %add3A_891 : i32 to index
      %get3A_895 = tpu.vector_load %arg4[%get3A_893, %get3A_894] {strides = array<i32>} : memref<4x8192xf32, #tpu.memory_space<vmem>>, vector<1x16xf32>,
      %get3A_896 = vector.shape_cast %get3A_895 : vector<1x16xf32> to vector<16xf32>
      %gt3A_897 = arith.cmpf ogt, %get3A_896, %scan3A_856 : vector<16xf32>
      %select_n3A_898 = arith.select %gt3A_897, %get3A_896, %scan3A_856 : vector<16xi1>, vector<16xf32>
      %select_n3A_899 = arith.select %gt3A_897, %scan3A_868, %scan3A_857 : vector<16xi1>, vector<16xi32>
      %add3A_900 = arith.constant 48 : i32
      %add3A_901 = arith.addi %mul3A_870, %add3A_900 : i32
      %get3A_902 = arith.constant 3 : i32
      %get3A_903 = arith.index_cast %get3A_902 : i32 to index
      %get3A_904 = arith.index_cast %add3A_901 : i32 to index
      %get3A_905 = tpu.vector_load %arg4[%get3A_903, %get3A_904] {strides = array<i32>} : memref<4x8192xf32, #tpu.memory_space<vmem>>, vector<1x16xf32>,
      %get3A_906 = vector.shape_cast %get3A_905 : vector<1x16xf32> to vector<16xf32>
      %gt3A_907 = arith.cmpf ogt, %get3A_906, %scan3A_858 : vector<16xf32>
      %select_n3A_908 = arith.select %gt3A_907, %get3A_906, %scan3A_858 : vector<16xi1>, vector<16xf32>
      %select_n3A_909 = arith.select %gt3A_907, %scan3A_868, %scan3A_859 : vector<16xi1>, vector<16xi32>
      %add3A_910 = arith.constant 64 : i32
      %add3A_911 = arith.addi %mul3A_870, %add3A_910 : i32
      %get3A_912 = arith.constant 3 : i32
      %get3A_913 = arith.index_cast %get3A_912 : i32 to index
      %get3A_914 = arith.index_cast %add3A_911 : i32 to index
      %get3A_915 = tpu.vector_load %arg4[%get3A_913, %get3A_914] {strides = array<i32>} : memref<4x8192xf32, #tpu.memory_space<vmem>>, vector<1x16xf32>,
      %get3A_916 = vector.shape_cast %get3A_915 : vector<1x16xf32> to vector<16xf32>
      %gt3A_917 = arith.cmpf ogt, %get3A_916, %scan3A_860 : vector<16xf32>
      %select_n3A_918 = arith.select %gt3A_917, %get3A_916, %scan3A_860 : vector<16xi1>, vector<16xf32>
      %select_n3A_919 = arith.select %gt3A_917, %scan3A_868, %scan3A_861 : vector<16xi1>, vector<16xi32>
      %add3A_920 = arith.constant 80 : i32
      %add3A_921 = arith.addi %mul3A_870, %add3A_920 : i32
      %get3A_922 = arith.constant 3 : i32
      %get3A_923 = arith.index_cast %get3A_922 : i32 to index
      %get3A_924 = arith.index_cast %add3A_921 : i32 to index
      %get3A_925 = tpu.vector_load %arg4[%get3A_923, %get3A_924] {strides = array<i32>} : memref<4x8192xf32, #tpu.memory_space<vmem>>, vector<1x16xf32>,
      %get3A_926 = vector.shape_cast %get3A_925 : vector<1x16xf32> to vector<16xf32>
      %gt3A_927 = arith.cmpf ogt, %get3A_926, %scan3A_862 : vector<16xf32>
      %select_n3A_928 = arith.select %gt3A_927, %get3A_926, %scan3A_862 : vector<16xi1>, vector<16xf32>
      %select_n3A_929 = arith.select %gt3A_927, %scan3A_868, %scan3A_863 : vector<16xi1>, vector<16xi32>
      %add3A_930 = arith.constant 96 : i32
      %add3A_931 = arith.addi %mul3A_870, %add3A_930 : i32
      %get3A_932 = arith.constant 3 : i32
      %get3A_933 = arith.index_cast %get3A_932 : i32 to index
      %get3A_934 = arith.index_cast %add3A_931 : i32 to index
      %get3A_935 = tpu.vector_load %arg4[%get3A_933, %get3A_934] {strides = array<i32>} : memref<4x8192xf32, #tpu.memory_space<vmem>>, vector<1x16xf32>,
      %get3A_936 = vector.shape_cast %get3A_935 : vector<1x16xf32> to vector<16xf32>
      %gt3A_937 = arith.cmpf ogt, %get3A_936, %scan3A_864 : vector<16xf32>
      %select_n3A_938 = arith.select %gt3A_937, %get3A_936, %scan3A_864 : vector<16xi1>, vector<16xf32>
      %select_n3A_939 = arith.select %gt3A_937, %scan3A_868, %scan3A_865 : vector<16xi1>, vector<16xi32>
      %add3A_940 = arith.constant 112 : i32
      %add3A_941 = arith.addi %mul3A_870, %add3A_940 : i32
      %get3A_942 = arith.constant 3 : i32
      %get3A_943 = arith.index_cast %get3A_942 : i32 to index
      %get3A_944 = arith.index_cast %add3A_941 : i32 to index
      %get3A_945 = tpu.vector_load %arg4[%get3A_943, %get3A_944] {strides = array<i32>} : memref<4x8192xf32, #tpu.memory_space<vmem>>, vector<1x16xf32>,
      %get3A_946 = vector.shape_cast %get3A_945 : vector<1x16xf32> to vector<16xf32>
      %gt3A_947 = arith.cmpf ogt, %get3A_946, %scan3A_866 : vector<16xf32>
      %select_n3A_948 = arith.select %gt3A_947, %get3A_946, %scan3A_866 : vector<16xi1>, vector<16xf32>
      %select_n3A_949 = arith.select %gt3A_947, %scan3A_868, %scan3A_867 : vector<16xi1>, vector<16xi32>
      %add3A_950 = arith.constant 1 : i32
      %add3A_951 = vector.broadcast %add3A_950 : i32 to vector<16xi32>
      %add3A_952 = arith.addi %scan3A_868, %add3A_951 : vector<16xi32>
      scf.yield %select_n3A_878, %select_n3A_879, %select_n3A_888, %select_n3A_889, %select_n3A_898, %select_n3A_899, %select_n3A_908, %select_n3A_909, %select_n3A_918, %select_n3A_919, %select_n3A_928, %select_n3A_929, %select_n3A_938, %select_n3A_939, %select_n3A_948, %select_n3A_949, %add3A_952 : vector<16xf32>, vector<16xi32>, vector<16xf32>, vector<16xi32>, vector<16xf32>, vector<16xi32>, vector<16xf32>, vector<16xi32>, vector<16xf32>, vector<16xi32>, vector<16xf32>, vector<16xi32>, vector<16xf32>, vector<16xi32>, vector<16xf32>, vector<16xi32>, vector<16xi32>
    }
    %scan3A_671 = arith.constant 64 : i32
    %mul3A_672 = arith.constant 128 : i32
    %mul3A_673 = vector.broadcast %mul3A_672 : i32 to vector<16xi32>
    %mul3A_674 = arith.muli %scan3A_670#1, %mul3A_673 : vector<16xi32>
    %add3A_675 = arith.constant 0 : i32
    %add3A_676 = vector.broadcast %add3A_675 : i32 to vector<16xi32>
    %add3A_677 = arith.addi %mul3A_674, %add3A_676 : vector<16xi32>
    %add3A_678 = arith.addi %add3A_677, %iota3A : vector<16xi32>
    %mul3A_679 = arith.constant 128 : i32
    %mul3A_680 = vector.broadcast %mul3A_679 : i32 to vector<16xi32>
    %mul3A_681 = arith.muli %scan3A_670#3, %mul3A_680 : vector<16xi32>
    %add3A_682 = arith.constant 16 : i32
    %add3A_683 = vector.broadcast %add3A_682 : i32 to vector<16xi32>
    %add3A_684 = arith.addi %mul3A_681, %add3A_683 : vector<16xi32>
    %add3A_685 = arith.addi %add3A_684, %iota3A : vector<16xi32>
    %mul3A_686 = arith.constant 128 : i32
    %mul3A_687 = vector.broadcast %mul3A_686 : i32 to vector<16xi32>
    %mul3A_688 = arith.muli %scan3A_670#5, %mul3A_687 : vector<16xi32>
    %add3A_689 = arith.constant 32 : i32
    %add3A_690 = vector.broadcast %add3A_689 : i32 to vector<16xi32>
    %add3A_691 = arith.addi %mul3A_688, %add3A_690 : vector<16xi32>
    %add3A_692 = arith.addi %add3A_691, %iota3A : vector<16xi32>
    %mul3A_693 = arith.constant 128 : i32
    %mul3A_694 = vector.broadcast %mul3A_693 : i32 to vector<16xi32>
    %mul3A_695 = arith.muli %scan3A_670#7, %mul3A_694 : vector<16xi32>
    %add3A_696 = arith.constant 48 : i32
    %add3A_697 = vector.broadcast %add3A_696 : i32 to vector<16xi32>
    %add3A_698 = arith.addi %mul3A_695, %add3A_697 : vector<16xi32>
    %add3A_699 = arith.addi %add3A_698, %iota3A : vector<16xi32>
    %mul3A_700 = arith.constant 128 : i32
    %mul3A_701 = vector.broadcast %mul3A_700 : i32 to vector<16xi32>
    %mul3A_702 = arith.muli %scan3A_670#9, %mul3A_701 : vector<16xi32>
    %add3A_703 = arith.constant 64 : i32
    %add3A_704 = vector.broadcast %add3A_703 : i32 to vector<16xi32>
    %add3A_705 = arith.addi %mul3A_702, %add3A_704 : vector<16xi32>
    %add3A_706 = arith.addi %add3A_705, %iota3A : vector<16xi32>
    %mul3A_707 = arith.constant 128 : i32
    %mul3A_708 = vector.broadcast %mul3A_707 : i32 to vector<16xi32>
    %mul3A_709 = arith.muli %scan3A_670#11, %mul3A_708 : vector<16xi32>
    %add3A_710 = arith.constant 80 : i32
    %add3A_711 = vector.broadcast %add3A_710 : i32 to vector<16xi32>
    %add3A_712 = arith.addi %mul3A_709, %add3A_711 : vector<16xi32>
    %add3A_713 = arith.addi %add3A_712, %iota3A : vector<16xi32>
    %mul3A_714 = arith.constant 128 : i32
    %mul3A_715 = vector.broadcast %mul3A_714 : i32 to vector<16xi32>
    %mul3A_716 = arith.muli %scan3A_670#13, %mul3A_715 : vector<16xi32>
    %add3A_717 = arith.constant 96 : i32
    %add3A_718 = vector.broadcast %add3A_717 : i32 to vector<16xi32>
    %add3A_719 = arith.addi %mul3A_716, %add3A_718 : vector<16xi32>
    %add3A_720 = arith.addi %add3A_719, %iota3A : vector<16xi32>
    %mul3A_721 = arith.constant 128 : i32
    %mul3A_722 = vector.broadcast %mul3A_721 : i32 to vector<16xi32>
    %mul3A_723 = arith.muli %scan3A_670#15, %mul3A_722 : vector<16xi32>
    %add3A_724 = arith.constant 112 : i32
    %add3A_725 = vector.broadcast %add3A_724 : i32 to vector<16xi32>
    %add3A_726 = arith.addi %mul3A_723, %add3A_725 : vector<16xi32>
    %add3A_727 = arith.addi %add3A_726, %iota3A : vector<16xi32>
    %gt3A_728 = arith.cmpf ogt, %scan3A_670#2, %scan3A_670#0 : vector<16xf32>
    %eq3A_729 = arith.cmpf oeq, %scan3A_670#2, %scan3A_670#0 : vector<16xf32>
    %lt3A_730 = arith.cmpi slt, %add3A_685, %add3A_678 : vector<16xi32>
    %and3A_731 = arith.andi %eq3A_729, %lt3A_730 : vector<16xi1>
    %or3A_732 = arith.ori %gt3A_728, %and3A_731 : vector<16xi1>
    %select_n3A_733 = arith.select %or3A_732, %scan3A_670#2, %scan3A_670#0 : vector<16xi1>, vector<16xf32>
    %select_n3A_734 = arith.select %or3A_732, %add3A_685, %add3A_678 : vector<16xi1>, vector<16xi32>
    %gt3A_735 = arith.cmpf ogt, %scan3A_670#6, %scan3A_670#4 : vector<16xf32>
    %eq3A_736 = arith.cmpf oeq, %scan3A_670#6, %scan3A_670#4 : vector<16xf32>
    %lt3A_737 = arith.cmpi slt, %add3A_699, %add3A_692 : vector<16xi32>
    %and3A_738 = arith.andi %eq3A_736, %lt3A_737 : vector<16xi1>
    %or3A_739 = arith.ori %gt3A_735, %and3A_738 : vector<16xi1>
    %select_n3A_740 = arith.select %or3A_739, %scan3A_670#6, %scan3A_670#4 : vector<16xi1>, vector<16xf32>
    %select_n3A_741 = arith.select %or3A_739, %add3A_699, %add3A_692 : vector<16xi1>, vector<16xi32>
    %gt3A_742 = arith.cmpf ogt, %scan3A_670#10, %scan3A_670#8 : vector<16xf32>
    %eq3A_743 = arith.cmpf oeq, %scan3A_670#10, %scan3A_670#8 : vector<16xf32>
    %lt3A_744 = arith.cmpi slt, %add3A_713, %add3A_706 : vector<16xi32>
    %and3A_745 = arith.andi %eq3A_743, %lt3A_744 : vector<16xi1>
    %or3A_746 = arith.ori %gt3A_742, %and3A_745 : vector<16xi1>
    %select_n3A_747 = arith.select %or3A_746, %scan3A_670#10, %scan3A_670#8 : vector<16xi1>, vector<16xf32>
    %select_n3A_748 = arith.select %or3A_746, %add3A_713, %add3A_706 : vector<16xi1>, vector<16xi32>
    %gt3A_749 = arith.cmpf ogt, %scan3A_670#14, %scan3A_670#12 : vector<16xf32>
    %eq3A_750 = arith.cmpf oeq, %scan3A_670#14, %scan3A_670#12 : vector<16xf32>
    %lt3A_751 = arith.cmpi slt, %add3A_727, %add3A_720 : vector<16xi32>
    %and3A_752 = arith.andi %eq3A_750, %lt3A_751 : vector<16xi1>
    %or3A_753 = arith.ori %gt3A_749, %and3A_752 : vector<16xi1>
    %select_n3A_754 = arith.select %or3A_753, %scan3A_670#14, %scan3A_670#12 : vector<16xi1>, vector<16xf32>
    %select_n3A_755 = arith.select %or3A_753, %add3A_727, %add3A_720 : vector<16xi1>, vector<16xi32>
    %gt3A_756 = arith.cmpf ogt, %select_n3A_740, %select_n3A_733 : vector<16xf32>
    %eq3A_757 = arith.cmpf oeq, %select_n3A_740, %select_n3A_733 : vector<16xf32>
    %lt3A_758 = arith.cmpi slt, %select_n3A_741, %select_n3A_734 : vector<16xi32>
    %and3A_759 = arith.andi %eq3A_757, %lt3A_758 : vector<16xi1>
    %or3A_760 = arith.ori %gt3A_756, %and3A_759 : vector<16xi1>
    %select_n3A_761 = arith.select %or3A_760, %select_n3A_740, %select_n3A_733 : vector<16xi1>, vector<16xf32>
    %select_n3A_762 = arith.select %or3A_760, %select_n3A_741, %select_n3A_734 : vector<16xi1>, vector<16xi32>
    %gt3A_763 = arith.cmpf ogt, %select_n3A_754, %select_n3A_747 : vector<16xf32>
    %eq3A_764 = arith.cmpf oeq, %select_n3A_754, %select_n3A_747 : vector<16xf32>
    %lt3A_765 = arith.cmpi slt, %select_n3A_755, %select_n3A_748 : vector<16xi32>
    %and3A_766 = arith.andi %eq3A_764, %lt3A_765 : vector<16xi1>
    %or3A_767 = arith.ori %gt3A_763, %and3A_766 : vector<16xi1>
    %select_n3A_768 = arith.select %or3A_767, %select_n3A_754, %select_n3A_747 : vector<16xi1>, vector<16xf32>
    %select_n3A_769 = arith.select %or3A_767, %select_n3A_755, %select_n3A_748 : vector<16xi1>, vector<16xi32>
    %gt3A_770 = arith.cmpf ogt, %select_n3A_768, %select_n3A_761 : vector<16xf32>
    %eq3A_771 = arith.cmpf oeq, %select_n3A_768, %select_n3A_761 : vector<16xf32>
    %lt3A_772 = arith.cmpi slt, %select_n3A_769, %select_n3A_762 : vector<16xi32>
    %and3A_773 = arith.andi %eq3A_771, %lt3A_772 : vector<16xi1>
    %or3A_774 = arith.ori %gt3A_770, %and3A_773 : vector<16xi1>
    %select_n3A_775 = arith.select %or3A_774, %select_n3A_768, %select_n3A_761 : vector<16xi1>, vector<16xf32>
    %select_n3A_776 = arith.select %or3A_774, %select_n3A_769, %select_n3A_762 : vector<16xi1>, vector<16xi32>
    %xor3A_777 = arith.constant 8 : i32
    %xor3A_778 = vector.broadcast %xor3A_777 : i32 to vector<16xi32>
    %xor3A_779 = arith.xori %iota3A, %xor3A_778 : vector<16xi32>
    %broadcast_in_dim3A_780 = vector.shape_cast %xor3A_779 : vector<16xi32> to vector<16x1xi32>
    %gather3A_781 = vector.shape_cast %broadcast_in_dim3A_780 : vector<16x1xi32> to vector<16xi32>
    %gather3A_782 = tpu.dynamic_gather %select_n3A_775[%gather3A_781] in [0] : vector<16xf32>, vector<16xi32> -> vector<16xf32>
    %broadcast_in_dim3A_783 = vector.shape_cast %xor3A_779 : vector<16xi32> to vector<16x1xi32>
    %gather3A_784 = vector.shape_cast %broadcast_in_dim3A_783 : vector<16x1xi32> to vector<16xi32>
    %gather3A_785 = tpu.dynamic_gather %select_n3A_776[%gather3A_784] in [0] : vector<16xi32>, vector<16xi32> -> vector<16xi32>
    %gt3A_786 = arith.cmpf ogt, %gather3A_782, %select_n3A_775 : vector<16xf32>
    %eq3A_787 = arith.cmpf oeq, %gather3A_782, %select_n3A_775 : vector<16xf32>
    %lt3A_788 = arith.cmpi slt, %gather3A_785, %select_n3A_776 : vector<16xi32>
    %and3A_789 = arith.andi %eq3A_787, %lt3A_788 : vector<16xi1>
    %or3A_790 = arith.ori %gt3A_786, %and3A_789 : vector<16xi1>
    %select_n3A_791 = arith.select %or3A_790, %gather3A_782, %select_n3A_775 : vector<16xi1>, vector<16xf32>
    %select_n3A_792 = arith.select %or3A_790, %gather3A_785, %select_n3A_776 : vector<16xi1>, vector<16xi32>
    %xor3A_793 = arith.constant 4 : i32
    %xor3A_794 = vector.broadcast %xor3A_793 : i32 to vector<16xi32>
    %xor3A_795 = arith.xori %iota3A, %xor3A_794 : vector<16xi32>
    %broadcast_in_dim3A_796 = vector.shape_cast %xor3A_795 : vector<16xi32> to vector<16x1xi32>
    %gather3A_797 = vector.shape_cast %broadcast_in_dim3A_796 : vector<16x1xi32> to vector<16xi32>
    %gather3A_798 = tpu.dynamic_gather %select_n3A_791[%gather3A_797] in [0] : vector<16xf32>, vector<16xi32> -> vector<16xf32>
    %broadcast_in_dim3A_799 = vector.shape_cast %xor3A_795 : vector<16xi32> to vector<16x1xi32>
    %gather3A_800 = vector.shape_cast %broadcast_in_dim3A_799 : vector<16x1xi32> to vector<16xi32>
    %gather3A_801 = tpu.dynamic_gather %select_n3A_792[%gather3A_800] in [0] : vector<16xi32>, vector<16xi32> -> vector<16xi32>
    %gt3A_802 = arith.cmpf ogt, %gather3A_798, %select_n3A_791 : vector<16xf32>
    %eq3A_803 = arith.cmpf oeq, %gather3A_798, %select_n3A_791 : vector<16xf32>
    %lt3A_804 = arith.cmpi slt, %gather3A_801, %select_n3A_792 : vector<16xi32>
    %and3A_805 = arith.andi %eq3A_803, %lt3A_804 : vector<16xi1>
    %or3A_806 = arith.ori %gt3A_802, %and3A_805 : vector<16xi1>
    %select_n3A_807 = arith.select %or3A_806, %gather3A_798, %select_n3A_791 : vector<16xi1>, vector<16xf32>
    %select_n3A_808 = arith.select %or3A_806, %gather3A_801, %select_n3A_792 : vector<16xi1>, vector<16xi32>
    %xor3A_809 = arith.constant 2 : i32
    %xor3A_810 = vector.broadcast %xor3A_809 : i32 to vector<16xi32>
    %xor3A_811 = arith.xori %iota3A, %xor3A_810 : vector<16xi32>
    %broadcast_in_dim3A_812 = vector.shape_cast %xor3A_811 : vector<16xi32> to vector<16x1xi32>
    %gather3A_813 = vector.shape_cast %broadcast_in_dim3A_812 : vector<16x1xi32> to vector<16xi32>
    %gather3A_814 = tpu.dynamic_gather %select_n3A_807[%gather3A_813] in [0] : vector<16xf32>, vector<16xi32> -> vector<16xf32>
    %broadcast_in_dim3A_815 = vector.shape_cast %xor3A_811 : vector<16xi32> to vector<16x1xi32>
    %gather3A_816 = vector.shape_cast %broadcast_in_dim3A_815 : vector<16x1xi32> to vector<16xi32>
    %gather3A_817 = tpu.dynamic_gather %select_n3A_808[%gather3A_816] in [0] : vector<16xi32>, vector<16xi32> -> vector<16xi32>
    %gt3A_818 = arith.cmpf ogt, %gather3A_814, %select_n3A_807 : vector<16xf32>
    %eq3A_819 = arith.cmpf oeq, %gather3A_814, %select_n3A_807 : vector<16xf32>
    %lt3A_820 = arith.cmpi slt, %gather3A_817, %select_n3A_808 : vector<16xi32>
    %and3A_821 = arith.andi %eq3A_819, %lt3A_820 : vector<16xi1>
    %or3A_822 = arith.ori %gt3A_818, %and3A_821 : vector<16xi1>
    %select_n3A_823 = arith.select %or3A_822, %gather3A_814, %select_n3A_807 : vector<16xi1>, vector<16xf32>
    %select_n3A_824 = arith.select %or3A_822, %gather3A_817, %select_n3A_808 : vector<16xi1>, vector<16xi32>
    %xor3A_825 = arith.constant 1 : i32
    %xor3A_826 = vector.broadcast %xor3A_825 : i32 to vector<16xi32>
    %xor3A_827 = arith.xori %iota3A, %xor3A_826 : vector<16xi32>
    %broadcast_in_dim3A_828 = vector.shape_cast %xor3A_827 : vector<16xi32> to vector<16x1xi32>
    %gather3A_829 = vector.shape_cast %broadcast_in_dim3A_828 : vector<16x1xi32> to vector<16xi32>
    %gather3A_830 = tpu.dynamic_gather %select_n3A_823[%gather3A_829] in [0] : vector<16xf32>, vector<16xi32> -> vector<16xf32>
    %broadcast_in_dim3A_831 = vector.shape_cast %xor3A_827 : vector<16xi32> to vector<16x1xi32>
    %gather3A_832 = vector.shape_cast %broadcast_in_dim3A_831 : vector<16x1xi32> to vector<16xi32>
    %gather3A_833 = tpu.dynamic_gather %select_n3A_824[%gather3A_832] in [0] : vector<16xi32>, vector<16xi32> -> vector<16xi32>
    %gt3A_834 = arith.cmpf ogt, %gather3A_830, %select_n3A_823 : vector<16xf32>
    %eq3A_835 = arith.cmpf oeq, %gather3A_830, %select_n3A_823 : vector<16xf32>
    %lt3A_836 = arith.cmpi slt, %gather3A_833, %select_n3A_824 : vector<16xi32>
    %and3A_837 = arith.andi %eq3A_835, %lt3A_836 : vector<16xi1>
    %or3A_838 = arith.ori %gt3A_834, %and3A_837 : vector<16xi1>
    %select_n3A_839 = arith.select %or3A_838, %gather3A_830, %select_n3A_823 : vector<16xi1>, vector<16xf32>
    %select_n3A_840 = arith.select %or3A_838, %gather3A_833, %select_n3A_824 : vector<16xi1>, vector<16xi32>
    %eq3A_841 = arith.constant 3 : i32
    %eq3A_842 = vector.broadcast %eq3A_841 : i32 to vector<16xi32>
    %eq3A_843 = arith.cmpi eq, %iota3A, %eq3A_842 : vector<16xi32>
    %sub3A_844 = arith.constant 1 : i32
    %sub3A_845 = vector.broadcast %sub3A_844 : i32 to vector<16xi32>
    %sub3A_846 = arith.subi %select_n3A_840, %sub3A_845 : vector<16xi32>
    %select_n3A_847 = arith.select %eq3A_843, %sub3A_846, %select_n3A_648 : vector<16xi1>, vector<16xi32>
    %swap3A = arith.constant 0 : index
    %swap3A_848 = tpu.vector_load %arg5[%swap3A] {strides = array<i32>} : memref<16xi32, #tpu.memory_space<vmem>>, vector<16xi32>,
    %swap3A_849 = vector.shape_cast %swap3A_848 : vector<16xi32> to vector<16xi32>
    %swap3A_850 = vector.shape_cast %select_n3A_847 : vector<16xi32> to vector<16xi32>
    tpu.vector_store %arg5[%swap3A], %swap3A_850 {strides = array<i32>} : memref<16xi32, #tpu.memory_space<vmem>>, vector<16xi32>,
    "tpu.region"() ({
      %run_scoped3A = tpu.sem_alloc : memref<!tpu.dma_semaphore, #tpu.memory_space<semaphore_mem>>
      %dma_start3A_851 = arith.constant 0 : i32
      %dma_start3A_852 = tpu.memref_slice %arg3[%add3A, %dma_start3A_851] : memref<32x16xi32, #tpu.memory_space<hbm>> -> memref<1x16xi32, #tpu.memory_space<hbm>>
      %dma_start3A_853 = tpu.memref_squeeze %dma_start3A_852 : memref<1x16xi32, #tpu.memory_space<hbm>> -> memref<16xi32, #tpu.memory_space<hbm>>
      %dma_start3A_854 = arith.constant 0 : i32
      %dma_start3A_855 = tpu.memref_slice %arg3[%add3A, %dma_start3A_854] : memref<32x16xi32, #tpu.memory_space<hbm>> -> memref<1x16xi32, #tpu.memory_space<hbm>>
      %dma_start3A_856 = tpu.memref_squeeze %dma_start3A_855 : memref<1x16xi32, #tpu.memory_space<hbm>> -> memref<16xi32, #tpu.memory_space<hbm>>
      tpu.enqueue_dma source(%arg5 : memref<16xi32, #tpu.memory_space<vmem>>) target(%dma_start3A_856 : memref<16xi32, #tpu.memory_space<hbm>>) target_semaphore(%run_scoped3A : memref<!tpu.dma_semaphore, #tpu.memory_space<semaphore_mem>>)
      %dma_wait3A_857 = arith.constant 0 : i32
      %dma_wait3A_858 = tpu.memref_slice %arg3[%add3A, %dma_wait3A_857] : memref<32x16xi32, #tpu.memory_space<hbm>> -> memref<1x16xi32, #tpu.memory_space<hbm>>
      %dma_wait3A_859 = tpu.memref_squeeze %dma_wait3A_858 : memref<1x16xi32, #tpu.memory_space<hbm>> -> memref<16xi32, #tpu.memory_space<hbm>>
      %dma_wait3A_860 = arith.constant 0 : i32
      %dma_wait3A_861 = tpu.memref_slice %arg3[%add3A, %dma_wait3A_860] : memref<32x16xi32, #tpu.memory_space<hbm>> -> memref<1x16xi32, #tpu.memory_space<hbm>>
      %dma_wait3A_862 = tpu.memref_squeeze %dma_wait3A_861 : memref<1x16xi32, #tpu.memory_space<hbm>> -> memref<16xi32, #tpu.memory_space<hbm>>
      tpu.wait_dma2 semaphore(%run_scoped3A : memref<!tpu.dma_semaphore, #tpu.memory_space<semaphore_mem>>) src(%arg5 : memref<16xi32, #tpu.memory_space<vmem>>) dst(%dma_wait3A_862 : memref<16xi32, #tpu.memory_space<hbm>>)
      tpu.yield
    }) : () -> ()
    return
  }
}

</mosaic_0001>

<sc_bundles>
// kernel: kernel.3.cloned.1.call-start
scs
__scs_entry_jumppad:
0x0: {  	(pc) =	sbr.rel $0x88, $3  }
0x1: {  	(tag) =	ssettag $0x0;
	lr =	simm.s32 $0x1  }
0x2: {  	[smem:$0x3FA0] =	sst lr;
	_ =	strace $0xD0000000  }
0x3: {  	_ = 	snop  }
0x4: {  	_ = 	snop  }
0x5: {  	_ = 	snop  }
0x6: {  	_ = 	snop  }
0x7: {  	_ = 	snop  }
__scs_overlays_trampoline_lowered:
0x8: {  	[smem:$0x3FAF] =	sst s0  }
0x9: {  	[smem:$0x3FB0] =	sst s1  }
0xa: {  	[smem:$0x3FB1] =	sst s2  }
0xb: {  	[smem:$0x3FB2] =	sst s3  }
0xc: {  	[smem:$0x3FB3] =	sst s4  }
0xd: {  	[smem:$0x3FB4] =	sst s5  }
0xe: {  	[smem:$0x3FB5] =	sst s6  }
0xf: {  	[smem:$0x3FB6] =	sst s7  }
0x10: {  	[smem:$0x3FB7] =	sst s8  }
0x11: {  	[smem:$0x3FB8] =	sst s9;
	s0 =	simm.s32 @!p0 $0x0  }
0x12: {  	s1 =	sld [smem:$0x3F9E];
	s0 =	simm.s32 @p0 $0x1  }
0x13: {  	[smem:$0x3FB9] =	sst s0;
	s0 =	simm.s32 @!p1 $0x0  }
0x14: {  	s2 =	sld [smem:$0x3F9D];
	s0 =	simm.s32 @p1 $0x1  }
0x15: {  	[smem:$0x3FBA] =	sst s0;
	s0 =	simm.s32 @!p2 $0x0  }
0x16: {  	s3 =	sld [smem:$0x3FDB];
	s0 =	simm.s32 @p2 $0x1  }
0x17: {  	s4 =	simm.s32 $0x1BF5;
	[smem:$0x3FBC] =	sst s0  }
0x18: {  	s0 =	sld [smem:$0x3F9F];
	_ =	swait.ge [sflag:s4], $0x0  }
0x19: {  	s7 =	sld [smem:$0x3FA0]  }
0x1a: {  	s8 =	sadd.s32 $0xFFFFE003, lr  }
0x1b: {  	s9 =	sadd.s32 $0xFFFFFEF7, lr;
	s5 =	simm.s32 $0xFFFFFFFF;
	p2 =	slt.u32 s8, $0xFFFFF086  }
0x1c: {  	p1 =	slt.u32 s9, $0xF7A;
	s5 =	simm.s32 @!p2 $0x0  }
0x1d: {  	s5 =	simm.s32 @p1 $0x1;
	p0 =	seq.s32 s7, s2  }
0x1e: {  	s7 =	smul.u32 @!p0 $0xF7A, s2;
	p2 =	seq.s32 @!p0 s5, $0x0  }
0x1f: {  	s9 =	smul.u32 $0xF7A, s1;
	s8 =	simm.s32 @!p0 $0x1BF5;
	p2 =	por !p2, p0  }
0x20: {  	[sflag:s8] =	ssyncset.s32 @!p0 $0xFFFFF086;
	s6 =	sadd.s32 @!p0 s3, s7;
	s7 =	simm.s32 @!p0 $0x108  }
0x21: {  	s3 =	sadd.s32 s3, s9;
	s6 =	sadd.s32 @!p0 $0x88, s6;
	s7 =	simm.s32 @p2 $0x1082  }
0x22: {  	[simem:s7], [sflag:s8] =	dma.local @!p0 [hbm:s6], $0xF7A  }
0x23: {  	s9 =	sor.u32 $0xD0000000, s2;
	s6 =	simm.s32 $0x108;
	_ =	swait.ge @!p0 [sflag:s8], $0x0  }
0x24: {  	s3 =	sadd.s32 $0x88, s3;
	s6 =	simm.s32 @!p1 $0x1082;
	[sflag:s4] =	ssyncset.s32 $0xFFFFF086  }
0x25: {  	[simem:s6], [sflag:s4] =	dma.local [hbm:s3], $0xF7A  }
0x26: {  	[smem:$0x3FA0] =	sst s1;
	(tag) =	ssettag s2;
	_ =	strace s9  }
0x27: {  	s1 =	sld [smem:$0x3FB0]  }
0x28: {  	s2 =	sld [smem:$0x3FB1]  }
0x29: {  	s4 =	sld [smem:$0x3FB3]  }
0x2a: {  	p0 =	seq.s32 s5, $0x0;
	s5 =	sld [smem:$0x3FB4]  }
0x2b: {  	s6 =	sld [smem:$0x3FB5]  }
0x2c: {  	s7 =	sld [smem:$0x3FB6]  }
0x2d: {  	s3 =	simm.s32 $0x108;
	s8 =	sld [smem:$0x3FB7]  }
0x2e: {  	s3 =	simm.s32 @!p0 $0x1082;
	s9 =	sld [smem:$0x3FB8]  }
0x2f: {  	lr =	sadd.s32 s0, s3;
	s0 =	sld [smem:$0x3FAF]  }
0x30: {  	s3 =	sld [smem:$0x3FB2]  }
0x31: {  	[smem:$0x3FBB] =	sst s10  }
0x32: {  	s10 =	sld [smem:$0x3FB9];
	_ =	sdelay $0x3  }
0x33: {  	p0 =	seq.s32 s10, $0x1;
	s10 =	sld [smem:$0x3FBB];
	_ =	sdelay $0x3  }
0x34: {  	[smem:$0x3FBB] =	sst s10  }
0x35: {  	s10 =	sld [smem:$0x3FBA];
	_ =	sdelay $0x3  }
0x36: {  	p1 =	seq.s32 s10, $0x1;
	s10 =	sld [smem:$0x3FBB];
	_ =	sdelay $0x3  }
0x37: {  	[smem:$0x3FBB] =	sst s10  }
0x38: {  	s10 =	sld [smem:$0x3FBC]  }
0x39: {  	_ = 	snop;
	(pc) =	sbr.ind lr, $3  }
0x3a: {  	_ = 	snop  }
0x3b: {  	_ = 	snop  }
0x3c: {  	p2 =	seq.s32 s10, $0x1;
	s10 =	sld [smem:$0x3FBB]  }
0x3d: {  	_ =	shalt  }
0x3e: {  	_ =	shalt  }
0x3f: {  	_ =	shalt  }
0x40: {  	_ =	shalt  }
0x41: {  	_ =	shalt  }
0x42: {  	_ =	shalt  }
0x43: {  	_ =	shalt  }
0x44: {  	_ =	shalt  }
0x45: {  	_ =	shalt  }
0x46: {  	_ =	shalt  }
0x47: {  	_ =	shalt  }
0x48: {  	_ =	shalt  }
0x49: {  	_ =	shalt  }
0x4a: {  	_ =	shalt  }
0x4b: {  	_ =	shalt  }
0x4c: {  	_ =	shalt  }
0x4d: {  	_ =	shalt  }
0x4e: {  	_ =	shalt  }
0x4f: {  	_ =	shalt  }
0x50: {  	_ =	shalt  }
0x51: {  	_ =	shalt  }
0x52: {  	_ =	shalt  }
0x53: {  	_ =	shalt  }
0x54: {  	_ =	shalt  }
0x55: {  	_ =	shalt  }
0x56: {  	_ =	shalt  }
0x57: {  	_ =	shalt  }
0x58: {  	_ =	shalt  }
0x59: {  	_ =	shalt  }
0x5a: {  	_ =	shalt  }
0x5b: {  	_ =	shalt  }
0x5c: {  	_ =	shalt  }
0x5d: {  	_ =	shalt  }
0x5e: {  	_ =	shalt  }
0x5f: {  	_ =	shalt  }
0x60: {  	_ =	shalt  }
0x61: {  	_ =	shalt  }
0x62: {  	_ =	shalt  }
0x63: {  	_ =	shalt  }
0x64: {  	_ =	shalt  }
0x65: {  	_ =	shalt  }
0x66: {  	_ =	shalt  }
0x67: {  	_ =	shalt  }
0x68: {  	_ =	shalt  }
0x69: {  	_ =	shalt  }
0x6a: {  	_ =	shalt  }
0x6b: {  	_ =	shalt  }
0x6c: {  	_ =	shalt  }
0x6d: {  	_ =	shalt  }
0x6e: {  	_ =	shalt  }
0x6f: {  	_ =	shalt  }
0x70: {  	_ =	shalt  }
0x71: {  	_ =	shalt  }
0x72: {  	_ =	shalt  }
0x73: {  	_ =	shalt  }
0x74: {  	_ =	shalt  }
0x75: {  	_ =	shalt  }
0x76: {  	_ =	shalt  }
0x77: {  	_ =	shalt  }
0x78: {  	_ =	shalt  }
0x79: {  	_ =	shalt  }
0x7a: {  	_ =	shalt  }
0x7b: {  	_ =	shalt  }
0x7c: {  	_ =	shalt  }
0x7d: {  	_ =	shalt  }
0x7e: {  	_ =	shalt  }
0x7f: {  	_ =	shalt  }
0x80: {  	_ =	shalt  }
0x81: {  	_ =	shalt  }
0x82: {  	_ =	shalt  }
0x83: {  	_ =	shalt  }
0x84: {  	_ =	shalt  }
0x85: {  	_ =	shalt  }
0x86: {  	_ =	shalt  }
0x87: {  	_ =	shalt  }
.Lfunc_end0:
.L_simem_size_0:
called_computation_lowered:
.L_overlay_start_0:
0x88: {  	s2 =	sld [smem:$0x3FD9]  }
0x89: {  	s3 =	sld [smem:$0x3FFE];
	_ =	sdelay $0x1  }
0x8a: {  	s1 =	srdreg.scid  }
0x8b: {  	s0 =	sand.u32 $0x1, s1  }
0x8c: {  	s17 =	sshll.u32 s0, $0xA;
	s2 =	sadd.s32 s3, s2  }
0x8d: {  	s2 =	sadd.s32 s2, s17  }
0x8e: {  	[smem:$0x3FC7] =	sst s2  }
0x8f: {  	_ = 	snop  }
0x90: {  	s2 =	sld [smem:$0x3FC9];
	(tm) =	ssettm $0x1  }
0x91: {  	s18 =	sld [smem:$0x3FFB];
	_ =	sdelay $0x3  }
0x92: {  	_ =	strace s18  }
0x93: {  	s3 =	sld [smem:$0x3FFC];
	_ =	sdelay $0x3  }
0x94: {  	_ =	strace s3  }
0x95: {  	s3 =	sld [smem:$0x3FFD];
	_ =	sdelay $0x3  }
0x96: {  	_ =	strace s3  }
0x97: {  	_ =	strace $0x8FFFFFFF  }
0x98: {  	s19 =	sld [smem:$0x3FDB];
	_ =	sdelay $0x1  }
0x99: {  	s4 =	simm.s32 $_scs_section_size  }
0x9a: {  	s5 =	simm.s32 $_size__tile_overlayer_lowered;
	s6 =	simm.s32 $_tile_overlayer_lowered  }
0x9b: {  	s22 =	simm.s32 $0x1BFF;
	s21 =	sshll.u32 s6, $0x1;
	s3 =	sadd.s32 s4, s19  }
0x9c: {  	s7 =	simm.s32 $0x0;
	s20 =	sshll.u32 s5, $0x1;
	s5 =	sadd.s32 s21, s3  }
0x9d: {  	[timem:s7], [sflag:s22] =	dma.local [hbm:s5], s20  }
0x9e: {  	_ =	swait.ge [sflag:s22], s20  }
0x9f: {  	s4 =	ssub.s32 $0x0, s20;
	[sflag:s22] =	ssyncset.done $0x0  }
0xa0: {  	[sflag:s22] =	ssyncadd.s32 s4;
	_ =	sdelay $0x1  }
0xa1: {  	s23 =	simm.s32 $0x1B8B  }
0xa2: {  	_ =	swait.ge [sflag:s23], $0x1  }
0xa3: {  	[sflag:s23] =	ssyncset.done $0x0  }
0xa4: {  	s25 =	simm.s32 $0x1B8E;
	s24 =	sld [smem:$0x3FFE];
	[sflag:s23] =	ssyncadd.s32 $0xFFFFFFFF  }
0xa5: {  	s26 =	simm.s32 $execute0_lowered;
	[smem:$0x3FD2] =	sst s25  }
0xa6: {  	s5 =	sshll.u32 s26, $0x1;
	_ =	strace $0x80000046;
	[dreg:$0x1] =	wrdreg $0xFFFFFFFF  }
0xa7: {  	s28 =	simm.s32 $_size_execute0_lowered;
	s3 =	sadd.s32 s3, s5;
	[dreg:$0x0] =	wrdreg $0x0  }
0xa8: {  	s5 =	sshll.u32 s28, $0x1;
	[dreg:$0x2] =	wrdreg s3  }
0xa9: {  	[dreg:$0x3] =	wrdreg s5  }
0xaa: {  	[dreg:$0x4] =	wrdreg $0xC0  }
0xab: {  	_ =	task [dreg:s7], $0x5FFFF  }
0xac: {  	[dreg:$0x1] =	wrdreg $0xFFFFFFFF  }
0xad: {  	[dreg:$0x0] =	wrdreg $0x60  }
0xae: {  	[dreg:$0x2] =	wrdreg s2  }
0xaf: {  	[dreg:$0x3] =	wrdreg s24  }
0xb0: {  	[dreg:$0x4] =	wrdreg $0x9  }
0xb1: {  	_ =	task.clear_ibuf [dreg:s7], $0x5FFFF;
	_ =	strace $0x90000046  }
0xb2: {  	s29 =	simm.s32 $0x9;
	_ =	strace $0x80000048  }
0xb3: {  	_ =	swait.ge [sflag:s29], $0x1  }
0xb4: {  	[sflag:s29] =	ssyncadd.s32 $0xFFFFFFFF  }
0xb5: {  	_ =	strace $0x90000048  }
0xb6: {  	_ =	sfence  }
0xb7: {  	s30 =	sld [smem:$0x0];
	_ =	sdelay $0x2  }
0xb8: {  	s31 =	sshll.u32 s1, $0xD;
	s1 =	sshrl.u32 s1, $0x2  }
0xb9: {  	s3 =	sand.u32 $0x4000, s31;
	s1 =	sadd.s32 s1, s30  }
0xba: {  	s0 =	sor.u32 s3, s0;
	s1 =	sshll.u32 s1, $0x11  }
0xbb: {  	s0 =	sor.u32 s1, s0  }
0xbc: {  	s0 =	sadd.s32 $0x8F2B, s0  }
0xbd: {  	[sflag:s0] =	ssyncadd.remote.s32 $0x1  }
0xbe: {  	_ =	sfence.sel $0xFFFF  }
0xbf: {  	[dreg:$0x0] =	wrdreg $0xFFFFFFFF;
	(pc) =	sbr.abs _section_cstart, $3  }
0xc0: {  	[dreg:$0x1] =	wrdreg $0xFFFFFFFF  }
0xc1: {  	_ =	task.clear_ibuf [dreg:s7], $0x2FFFF;
	_ =	strace $0x9FFFFFFF  }
0xc2: {  	(tm) =	ssettm $0x7FFFFFFF  }
0xc3: {  	_ =	shalt  }
tec
execute0_lowered:
.L_overlay_start_1:
0x0: {  	(tag) =	ssettag $0x1  }
0x1: {  	v0 =	vlaneseq.u32  }
0x2: {  	v2 =	vimm.s32 $0xFEDCBA98;
	v6 =	vimm.s32 $0x76543210;
	v8 =	vimm.s32 $0x32107654  }
0x3: {  	v9 =	vimm.s32 $0xDCFE98BA;
	v10 =	vimm.s32 $0x54761032;
	v11 =	vimm.s32 $0xEFCDAB89  }
0x4: {  	s3 =	rddreg [dreg:$0x0];
	v12 =	vimm.s32 $0x67452301;
	vm0 =	vcmask $0x310;
	vm1 =	vcmask $0x710  }
0x5: {  	s4 =	rddreg [dreg:$0x1];
	vm2 =	vcmask $0xB10;
	v1 =	vor.u32 $0x10, v0;
	v5 =	vunpack.c.l.s4.s8 v2  }
0x6: {  	s0 =	simm.s32 $0x0;
	s2 =	srdreg.scid;
	s1 =	rddreg [dreg:$0x2];
	v2 =	vor.u32 $0x20, v0;
	v3 =	vor.u32 $0x30, v0;
	v4 =	vor.u32 $0x40, v0  }
0x7: {  	s10 =	simm.s32 $0x2;
	s11 =	simm.s32 $0x3;
	s12 =	simm.s32 $0x4;
	v9 =	vunpack.c.l.s4.s8 v9;
	v10 =	vunpack.c.l.s4.s8 v10;
	v11 =	vunpack.c.l.s4.s8 v11  }
0x8: {  	s13 =	simm.s32 $0x8000;
	s14 =	simm.s32 $0x5;
	s15 =	simm.s32 $0x0;
	v12 =	vunpack.c.l.s4.s8 v12;
	v7 =	vunpack.c.0.s8.s32 v5;
	v5 =	vimm.s32 $0xBA98FEDC  }
0x9: {  	[smem:$0x7FF] =	sst s0;
	v8 =	vunpack.c.l.s4.s8 v8;
	s5 =	sand.u32 $0x1, s2;
	s2 =	stileid.u32;
	v9 =	vunpack.c.0.s8.s32 v9;
	v5 =	vunpack.c.l.s4.s8 v5  }
0xa: {  	_ =	strace $0x80000047;
	s6 =	sshll.u32 s5, $0x6;
	s7 =	sshll.u32 s2, $0xD;
	v10 =	vunpack.c.0.s8.s32 v10;
	v11 =	vunpack.c.0.s8.s32 v11;
	v12 =	vunpack.c.0.s8.s32 v12  }
0xb: {  	v6 =	vunpack.c.l.s4.s8 v6;
	s8 =	sshll.u32 s5, $0x4;
	s5 =	ssub.s32 $0x2, s5;
	s9 =	sshll.u32 s2, $0x5;
	v8 =	vunpack.c.0.s8.s32 v8;
	v5 =	vunpack.c.0.s8.s32 v5  }
0xc: {  	s6 =	sor.u32 s6, s7;
	s29 =	sadd.s32 s8, s4;
	s30 =	sshrl.u32 s5, $0x1;
	v14 =	vand.u32 $0xF, v7;
	v10 =	vcombine.low v10, v9;
	v11 =	vcombine.low v12, v11  }
0xd: {  	s3 =	sadd.s32 s3, s6;
	s31 =	ssub.s32 s5, s30;
	s7 =	sadd.s32 s9, s29;
	v7 =	vor.u32 $0x70, v0;
	v13 =	vcombine.low v8, v5;
	v8 =	vunpack.c.0.s8.s32 v6  }
0xe: {  	s9 =	simm.s32 $0x1;
	s4 =	sadd.s32 $0x10, s3;
	s5 =	sadd.s32 $0x20, s3;
	v10 =	vand.u32 $0xF, v10;
	v11 =	vand.u32 $0xF, v11;
	v5 =	vor.u32 $0x50, v0  }
0xf: {  	s6 =	sadd.s32 $0x30, s3;
	s7 =	sadd.s32 $0x400, s7;
	s8 =	smax.u32 s31, $0x1;
	v6 =	vor.u32 $0x60, v0;
	v8 =	vcombine.low v14, v8;
	v9 =	vand.u32 $0xF, v13  }
.LBB2_1:
0x10: {  	s16 =	simm.s32 $0x80  }
0x11: {  	s19 =	sadd.s32 $0x0, s3;
	s17 =	simm.s32 $0x200;
	s18 =	simm.s32 $0x0  }
.LBB2_2:
0x12: {  	[tilespmem:s18], [sflag:$0x1] =	stream.linear.gather [hbm4b:s19+s0], $0x80, $0x38;
	[tilespmem:$0x8080] =	vst v63  }
0x13: {  	s19 =	smov.u32 s16;
	s18 =	smov.u32 s17;
	p0 =	sne.s32 s16, $0x1F80  }
.Ltmp0:
0x14: {  	s16 =	sadd.s32 $0x80, s16;
	(pc) =	sbr.rel @p0 .LBB2_2-.Ltmp0, $2  }
0x15: {  	_ =	sdelay $0x2  }
0x16: {  	s17 =	sadd.s32 $0x200, s17;
	s19 =	sadd.s32 s19, s3  }
0x17: {  	[tilespmem:s18], [sflag:$0x1] =	stream.linear.gather [hbm4b:s19+s0], $0x80, $0x38;
	[tilespmem:$0x8080] =	vst v63  }
0x18: {  	s16 =	simm.s32 $0x80  }
0x19: {  	s17 =	simm.s32 $0x80;
	s19 =	sadd.s32 $0x0, s4;
	s18 =	simm.s32 $0x280  }
.LBB2_4:
0x1a: {  	[tilespmem:s16], [sflag:$0x2] =	stream.linear.gather [hbm4b:s19+s0], $0x80, $0x38;
	[tilespmem:$0x8080] =	vst v63  }
0x1b: {  	s19 =	smov.u32 s17;
	s16 =	smov.u32 s18;
	p0 =	sne.s32 s17, $0x1F80  }
.Ltmp1:
0x1c: {  	s17 =	sadd.s32 $0x80, s17;
	(pc) =	sbr.rel @p0 .LBB2_4-.Ltmp1, $2  }
0x1d: {  	_ =	sdelay $0x2  }
0x1e: {  	s18 =	sadd.s32 $0x200, s18;
	s19 =	sadd.s32 s19, s4  }
0x1f: {  	[tilespmem:s16], [sflag:$0x2] =	stream.linear.gather [hbm4b:s19+s0], $0x80, $0x38;
	[tilespmem:$0x8080] =	vst v63  }
0x20: {  	s16 =	simm.s32 $0x100  }
0x21: {  	s17 =	simm.s32 $0x80;
	s19 =	sadd.s32 $0x0, s5;
	s18 =	simm.s32 $0x300  }
.LBB2_6:
0x22: {  	[tilespmem:s16], [sflag:$0x3] =	stream.linear.gather [hbm4b:s19+s0], $0x80, $0x38;
	[tilespmem:$0x8080] =	vst v63  }
0x23: {  	s19 =	smov.u32 s17;
	s16 =	smov.u32 s18;
	p0 =	sne.s32 s17, $0x1F80  }
.Ltmp2:
0x24: {  	s17 =	sadd.s32 $0x80, s17;
	(pc) =	sbr.rel @p0 .LBB2_6-.Ltmp2, $2  }
0x25: {  	_ =	sdelay $0x2  }
0x26: {  	s18 =	sadd.s32 $0x200, s18;
	s19 =	sadd.s32 s19, s5  }
0x27: {  	[tilespmem:s16], [sflag:$0x3] =	stream.linear.gather [hbm4b:s19+s0], $0x80, $0x38;
	[tilespmem:$0x8080] =	vst v63  }
0x28: {  	s16 =	simm.s32 $0x180  }
0x29: {  	s17 =	simm.s32 $0x80;
	s19 =	sadd.s32 $0x0, s6;
	s18 =	simm.s32 $0x380  }
.LBB2_8:
0x2a: {  	[tilespmem:s16], [sflag:$0x4] =	stream.linear.gather [hbm4b:s19+s0], $0x80, $0x38;
	[tilespmem:$0x8080] =	vst v63  }
0x2b: {  	s19 =	smov.u32 s17;
	s16 =	smov.u32 s18;
	p0 =	sne.s32 s17, $0x1F80  }
.Ltmp3:
0x2c: {  	s17 =	sadd.s32 $0x80, s17;
	(pc) =	sbr.rel @p0 .LBB2_8-.Ltmp3, $2  }
0x2d: {  	_ =	sdelay $0x2  }
0x2e: {  	s18 =	sadd.s32 $0x200, s18;
	s19 =	sadd.s32 s19, s6  }
0x2f: {  	[tilespmem:s16], [sflag:$0x4] =	stream.linear.gather [hbm4b:s19+s0], $0x80, $0x38;
	[tilespmem:$0x8080] =	vst v63  }
0x30: {  	_ =	swait.ge [sflag:s9], $0x2000  }
0x31: {  	[sflag:s9] =	ssyncset.done $0x0  }
0x32: {  	s31 =	simm.s32 $0x0;
	[sflag:s9] =	ssyncadd.s32 $0xFFFFE000  }
0x33: {  	v13 =	vld [tilespmem:s31+$0x0]  }
0x34: {  	v14 =	vld [tilespmem:s31+$0x10]  }
0x35: {  	v17 =	vld [tilespmem:s31+$0x20]  }
0x36: {  	v18 =	vld [tilespmem:s31+$0x30]  }
0x37: {  	v19 =	vld [tilespmem:s31+$0x40]  }
0x38: {  	v21 =	vld [tilespmem:s31+$0x50]  }
0x39: {  	v23 =	vld [tilespmem:s31+$0x60];
	_ =	sdelay $0x1  }
0x3a: {  	v24 =	vimm.f32 $-Inf;
	v12 =	vimm.s32 $0x0;
	v25 =	vld [tilespmem:s31+$0x70]  }
0x3b: {  	s16 =	simm.s32 $0x200;
	v35 =	vimm.s32 $0x0;
	vm3 =	vgt.f32 v13, v24;
	vm4 =	vgt.f32 v14, v24  }
0x3c: {  	v16 =	vld [tilespmem:s16+$0x0];
	vm5 =	vgt.f32 v17, v24;
	vm6 =	vgt.f32 v18, v24;
	vm7 =	vgt.f32 v19, v24  }
0x3d: {  	v22 =	vld [tilespmem:s16+$0x10];
	vm8 =	vgt.f32 v21, v24;
	vm9 =	vgt.f32 v23, v24;
	v13 =	vsel vm3, v13, v24  }
0x3e: {  	v20 =	vld [tilespmem:s16+$0x20];
	v15 =	vsel vm3, v12, v12;
	v14 =	vsel vm4, v14, v24;
	v17 =	vsel vm5, v17, v24  }
0x3f: {  	v31 =	vld [tilespmem:s16+$0x30];
	v18 =	vsel vm6, v18, v24;
	v19 =	vsel vm7, v19, v24;
	vm3 =	vgt.f32 v25, v24  }
0x40: {  	v33 =	vld [tilespmem:s16+$0x40];
	v21 =	vsel vm8, v21, v24;
	v23 =	vsel vm9, v23, v24;
	v26 =	vsel vm5, v12, v12  }
0x41: {  	v32 =	vld [tilespmem:s16+$0x50];
	v27 =	vsel vm6, v12, v12;
	v28 =	vsel vm7, v12, v12;
	v30 =	vsel vm8, v12, v12  }
0x42: {  	s17 =	simm.s32 $0x1000;
	v34 =	vld [tilespmem:s16+$0x60];
	v29 =	vsel vm9, v12, v12;
	v24 =	vsel vm3, v25, v24;
	v25 =	vsel vm4, v12, v12  }
.LBB2_10:
0x43: {  	p0 =	sne.s32 s17, $0x1F800;
	v36 =	vld [tilespmem:s16+$0x70];
	v35 =	vsel vm3, v12, v35  }
0x44: {  	s16 =	sshra.s32 s17, $0x2;
	vm3 =	vgt.f32 v16, v13;
	vm4 =	vgt.f32 v22, v14;
	v12 =	vadd.s32 $0x1, v12  }
0x45: {  	v13 =	vsel vm3, v16, v13;
	v15 =	vsel vm3, v12, v15;
	v14 =	vsel vm4, v22, v14;
	v16 =	vld [tilespmem:s16+$0x0]  }
0x46: {  	vm5 =	vgt.f32 v20, v17;
	vm6 =	vgt.f32 v31, v18;
	vm7 =	vgt.f32 v33, v19;
	v22 =	vld [tilespmem:s16+$0x10]  }
.Ltmp4:
0x47: {  	v17 =	vsel vm5, v20, v17;
	v18 =	vsel vm6, v31, v18;
	v19 =	vsel vm7, v33, v19;
	v20 =	vld [tilespmem:s16+$0x20];
	(pc) =	sbr.rel @p0 .LBB2_10-.Ltmp4, $4  }
0x48: {  	vm8 =	vgt.f32 v32, v21;
	vm9 =	vgt.f32 v34, v23;
	v31 =	vld [tilespmem:s16+$0x30];
	vm3 =	vgt.f32 v36, v24  }
0x49: {  	v21 =	vsel vm8, v32, v21;
	v23 =	vsel vm9, v34, v23;
	v33 =	vld [tilespmem:s16+$0x40];
	v24 =	vsel vm3, v36, v24  }
0x4a: {  	v25 =	vsel vm4, v12, v25;
	v26 =	vsel vm5, v12, v26;
	v27 =	vsel vm6, v12, v27;
	v32 =	vld [tilespmem:s16+$0x50]  }
0x4b: {  	s17 =	sadd.s32 $0x800, s17;
	v28 =	vsel vm7, v12, v28;
	v30 =	vsel vm8, v12, v30;
	v29 =	vsel vm9, v12, v29;
	v34 =	vld [tilespmem:s16+$0x60]  }
0x4c: {  	v35 =	vsel vm3, v12, v35  }
0x4d: {  	vm3 =	vgt.f32 v16, v13;
	vm4 =	vgt.f32 v22, v14;
	v12 =	vadd.s32 $0x1, v12  }
0x4e: {  	v13 =	vsel vm3, v16, v13;
	v15 =	vsel vm3, v12, v15;
	v14 =	vsel vm4, v22, v14  }
0x4f: {  	vm3 =	vgt.f32 v20, v17;
	vm5 =	vgt.f32 v31, v18;
	v22 =	vsel vm4, v12, v25  }
0x50: {  	v36 =	vld [tilespmem:s16+$0x70];
	vm6 =	vgt.f32 v33, v19;
	v16 =	vsel vm3, v20, v17;
	v17 =	vsel vm5, v31, v18  }
0x51: {  	v15 =	vshll.u32 v15, $0x7;
	v22 =	vshll.u32 v22, $0x7;
	vm4 =	veq.f32 v14, v13  }
0x52: {  	v18 =	vsel vm6, v33, v19;
	vm7 =	vgt.f32 v32, v21;
	v25 =	vsel vm6, v12, v28  }
0x53: {  	v15 =	vor.u32 v0, v15;
	v22 =	vor.u32 v1, v22;
	vm13 =	veq.f32 v17, v16  }
0x54: {  	vm8 =	vgt.f32 v34, v23;
	v19 =	vsel vm7, v32, v21;
	v25 =	vshll.u32 v25, $0x7  }
0x55: {  	vm9 =	vgt.f32 v36, v24;
	v20 =	vsel vm8, v34, v23;
	v23 =	vsel vm3, v12, v26  }
0x56: {  	v26 =	vsel vm7, v12, v30;
	v25 =	vor.u32 v4, v25;
	vm3 =	vgt.f32 v14, v13  }
0x57: {  	v21 =	vsel vm9, v36, v24;
	v24 =	vsel vm5, v12, v27;
	v27 =	vsel vm8, v12, v29  }
0x58: {  	v12 =	vsel vm9, v12, v35;
	v23 =	vshll.u32 v23, $0x7;
	v26 =	vshll.u32 v26, $0x7  }
0x59: {  	vm5 =	vlt.s32 v22, v15;
	v24 =	vshll.u32 v24, $0x7;
	v23 =	vor.u32 v2, v23  }
0x5a: {  	v27 =	vshll.u32 v27, $0x7;
	v26 =	vor.u32 v5, v26;
	v12 =	vshll.u32 v12, $0x7  }
0x5b: {  	vm4 =	vmand vm4, vm5;
	vm5 =	vgt.f32 v17, v16;
	vm9 =	veq.f32 v21, v20  }
0x5c: {  	v24 =	vor.u32 v3, v24;
	v27 =	vor.u32 v6, v27;
	v12 =	vor.u32 v7, v12  }
0x5d: {  	vm3 =	vmor vm3, vm4;
	vm15 =	vlt.s32 v26, v25;
	vm14 =	vlt.s32 v24, v23  }
0x5e: {  	v13 =	vsel vm3, v14, v13;
	v14 =	vsel vm3, v22, v15;
	vm6 =	vmand vm13, vm14  }
0x5f: {  	vm10 =	vlt.s32 v12, v27;
	vm4 =	vmor vm5, vm6;
	vm5 =	veq.f32 v19, v18  }
0x60: {  	vm3 =	vgt.f32 v19, v18;
	vm6 =	vmand vm9, vm10;
	vm5 =	vmand vm5, vm15  }
0x61: {  	v15 =	vsel vm4, v17, v16;
	vm3 =	vmor vm3, vm5;
	vm5 =	vgt.f32 v21, v20  }
0x62: {  	v16 =	vsel vm4, v24, v23;
	v17 =	vsel vm3, v19, v18;
	vm4 =	vmor vm5, vm6  }
0x63: {  	v18 =	vsel vm3, v26, v25;
	vm3 =	vgt.f32 v15, v13;
	vm5 =	vlt.s32 v16, v14  }
0x64: {  	v19 =	vsel vm4, v21, v20;
	v12 =	vsel vm4, v12, v27;
	vm4 =	veq.f32 v15, v13  }
0x65: {  	vm4 =	vmand vm4, vm5;
	vm5 =	veq.f32 v19, v17;
	vm11 =	vlt.s32 v12, v18  }
0x66: {  	vm3 =	vmor vm3, vm4;
	vm4 =	vgt.f32 v19, v17;
	vm5 =	vmand vm5, vm11  }
0x67: {  	v13 =	vsel vm3, v15, v13;
	vm4 =	vmor vm4, vm5  }
0x68: {  	v14 =	vsel vm3, v16, v14;
	v15 =	vsel vm4, v19, v17;
	v12 =	vsel vm4, v12, v18  }
0x69: {  	vm3 =	veq.f32 v15, v13;
	vm4 =	vlt.s32 v12, v14  }
0x6a: {  	vm5 =	vgt.f32 v15, v13;
	vm3 =	vmand vm3, vm4  }
0x6b: {  	_ =	swait.ge [sflag:s10], $0x2000;
	vm3 =	vmor vm5, vm3  }
0x6c: {  	[sflag:s10] =	ssyncset.done $0x0;
	v13 =	vsel vm3, v15, v13;
	v12 =	vsel vm3, v12, v14  }
0x6d: {  	s31 =	simm.s32 $0x0;
	[sflag:s10] =	ssyncadd.s32 $0xFFFFE000;
	v14 =	vperm.xlane v13, v8;
	v15 =	vperm.xlane v12, v8  }
0x6e: {  	v22 =	vld [tilespmem:s31+$0xB0]  }
0x6f: {  	v23 =	vld [tilespmem:s31+$0xC0];
	vm3 =	veq.f32 v14, v13;
	vm4 =	vlt.s32 v15, v12  }
0x70: {  	vm5 =	vgt.f32 v14, v13;
	vm3 =	vmand vm3, vm4  }
0x71: {  	vm3 =	vmor vm5, vm3  }
0x72: {  	v28 =	vimm.f32 $-Inf;
	v25 =	vld [tilespmem:s31+$0xD0];
	v13 =	vsel vm3, v14, v13;
	v12 =	vsel vm3, v15, v12  }
0x73: {  	vm12 =	vgt.f32 v22, v28;
	v14 =	vperm.xlane v13, v9;
	v15 =	vperm.xlane v12, v9  }
0x74: {  	v39 =	vimm.s32 $0x0;
	v27 =	vld [tilespmem:s31+$0xE0];
	v22 =	vsel vm12, v22, v28;
	vm13 =	vgt.f32 v23, v28  }
0x75: {  	v16 =	vimm.s32 $0x0;
	vm3 =	veq.f32 v14, v13;
	vm4 =	vlt.s32 v15, v12  }
0x76: {  	v23 =	vsel vm13, v23, v28;
	vm5 =	vgt.f32 v14, v13;
	vm3 =	vmand vm3, vm4  }
0x77: {  	v18 =	vld [tilespmem:s31+$0x90];
	vm14 =	vgt.f32 v25, v28;
	v31 =	vsel vm12, v16, v16;
	vm3 =	vmor vm5, vm3  }
0x78: {  	v21 =	vld [tilespmem:s31+$0xA0];
	v32 =	vsel vm13, v16, v16;
	v13 =	vsel vm3, v14, v13;
	v12 =	vsel vm3, v15, v12  }
0x79: {  	s16 =	simm.s32 $0x200;
	v17 =	vld [tilespmem:s31+$0x80];
	vm15 =	vgt.f32 v27, v28;
	v14 =	vperm.xlane v13, v10;
	v15 =	vperm.xlane v12, v10  }
0x7a: {  	v37 =	vld [tilespmem:s16+$0xC0];
	v25 =	vsel vm14, v25, v28;
	v34 =	vsel vm14, v16, v16;
	v27 =	vsel vm15, v27, v28  }
0x7b: {  	v29 =	vld [tilespmem:s31+$0xF0];
	v33 =	vsel vm15, v16, v16;
	vm3 =	veq.f32 v14, v13;
	vm4 =	vlt.s32 v15, v12  }
0x7c: {  	v38 =	vld [tilespmem:s16+$0xE0];
	vm5 =	vgt.f32 v14, v13;
	vm3 =	vmand vm3, vm4;
	vm4 =	vgt.f32 v18, v28  }
0x7d: {  	v26 =	vld [tilespmem:s16+$0x90];
	vm3 =	vmor vm5, vm3;
	v18 =	vsel vm4, v18, v28;
	vm5 =	vgt.f32 v21, v28  }
0x7e: {  	v20 =	vld [tilespmem:s16+$0x80];
	v14 =	vsel vm3, v14, v13;
	v12 =	vsel vm3, v15, v12;
	vm3 =	vgt.f32 v17, v28  }
0x7f: {  	v35 =	vld [tilespmem:s16+$0xB0];
	v21 =	vsel vm5, v21, v28;
	v30 =	vsel vm5, v16, v16;
	v15 =	vperm.xlane v14, v11  }
0x80: {  	v24 =	vld [tilespmem:s16+$0xA0];
	v17 =	vsel vm3, v17, v28;
	v19 =	vsel vm3, v16, v16;
	vm3 =	vgt.f32 v29, v28  }
0x81: {  	s17 =	simm.s32 $0x1000;
	v36 =	vld [tilespmem:s16+$0xD0];
	v13 =	vperm.xlane v12, v11;
	v28 =	vsel vm3, v29, v28;
	v29 =	vsel vm4, v16, v16  }
.LBB2_12:
0x82: {  	p0 =	sne.s32 s17, $0x1F800;
	v40 =	vld [tilespmem:s16+$0xF0];
	v39 =	vsel vm3, v16, v39  }
0x83: {  	s16 =	sshra.s32 s17, $0x2;
	vm3 =	vgt.f32 v20, v17;
	vm4 =	vgt.f32 v26, v18;
	v16 =	vadd.s32 $0x1, v16  }
0x84: {  	v17 =	vsel vm3, v20, v17;
	v19 =	vsel vm3, v16, v19;
	v18 =	vsel vm4, v26, v18;
	v20 =	vld [tilespmem:s16+$0x80]  }
0x85: {  	vm5 =	vgt.f32 v24, v21;
	vm6 =	vgt.f32 v35, v22;
	vm7 =	vgt.f32 v37, v23;
	v26 =	vld [tilespmem:s16+$0x90]  }
.Ltmp5:
0x86: {  	v21 =	vsel vm5, v24, v21;
	v22 =	vsel vm6, v35, v22;
	v23 =	vsel vm7, v37, v23;
	v24 =	vld [tilespmem:s16+$0xA0];
	(pc) =	sbr.rel @p0 .LBB2_12-.Ltmp5, $4  }
0x87: {  	vm8 =	vgt.f32 v36, v25;
	vm9 =	vgt.f32 v38, v27;
	v35 =	vld [tilespmem:s16+$0xB0];
	vm3 =	vgt.f32 v40, v28  }
0x88: {  	v25 =	vsel vm8, v36, v25;
	v27 =	vsel vm9, v38, v27;
	v37 =	vld [tilespmem:s16+$0xC0];
	v28 =	vsel vm3, v40, v28  }
0x89: {  	v29 =	vsel vm4, v16, v29;
	v30 =	vsel vm5, v16, v30;
	v31 =	vsel vm6, v16, v31;
	v36 =	vld [tilespmem:s16+$0xD0]  }
0x8a: {  	s17 =	sadd.s32 $0x800, s17;
	v32 =	vsel vm7, v16, v32;
	v34 =	vsel vm8, v16, v34;
	v33 =	vsel vm9, v16, v33;
	v38 =	vld [tilespmem:s16+$0xE0]  }
0x8b: {  	v39 =	vsel vm3, v16, v39  }
0x8c: {  	vm3 =	vgt.f32 v20, v17;
	vm4 =	vgt.f32 v26, v18;
	v16 =	vadd.s32 $0x1, v16  }
0x8d: {  	v17 =	vsel vm3, v20, v17;
	v19 =	vsel vm3, v16, v19;
	v18 =	vsel vm4, v26, v18  }
0x8e: {  	vm3 =	vgt.f32 v24, v21;
	vm5 =	vgt.f32 v35, v22;
	v26 =	vsel vm4, v16, v29  }
0x8f: {  	v40 =	vld [tilespmem:s16+$0xF0];
	vm6 =	vgt.f32 v37, v23;
	v20 =	vsel vm3, v24, v21;
	v21 =	vsel vm5, v35, v22  }
0x90: {  	v19 =	vshll.u32 v19, $0x7;
	v26 =	vshll.u32 v26, $0x7;
	vm4 =	veq.f32 v18, v17  }
0x91: {  	v22 =	vsel vm6, v37, v23;
	vm7 =	vgt.f32 v36, v25;
	v29 =	vsel vm6, v16, v32  }
0x92: {  	v19 =	vor.u32 v0, v19;
	v26 =	vor.u32 v1, v26;
	vm13 =	veq.f32 v21, v20  }
0x93: {  	vm8 =	vgt.f32 v38, v27;
	v23 =	vsel vm7, v36, v25;
	v29 =	vshll.u32 v29, $0x7  }
0x94: {  	vm9 =	vgt.f32 v40, v28;
	v24 =	vsel vm8, v38, v27;
	v27 =	vsel vm3, v16, v30  }
0x95: {  	v30 =	vsel vm7, v16, v34;
	v29 =	vor.u32 v4, v29;
	vm3 =	vgt.f32 v18, v17  }
0x96: {  	v25 =	vsel vm9, v40, v28;
	v28 =	vsel vm5, v16, v31;
	v31 =	vsel vm8, v16, v33  }
0x97: {  	v16 =	vsel vm9, v16, v39;
	v27 =	vshll.u32 v27, $0x7;
	v30 =	vshll.u32 v30, $0x7  }
0x98: {  	vm5 =	vlt.s32 v26, v19;
	v28 =	vshll.u32 v28, $0x7;
	v27 =	vor.u32 v2, v27  }
0x99: {  	v31 =	vshll.u32 v31, $0x7;
	v30 =	vor.u32 v5, v30;
	v16 =	vshll.u32 v16, $0x7  }
0x9a: {  	vm4 =	vmand vm4, vm5;
	vm5 =	vgt.f32 v21, v20;
	vm9 =	veq.f32 v25, v24  }
0x9b: {  	v28 =	vor.u32 v3, v28;
	v31 =	vor.u32 v6, v31;
	v16 =	vor.u32 v7, v16  }
0x9c: {  	vm3 =	vmor vm3, vm4;
	vm15 =	vlt.s32 v30, v29;
	vm14 =	vlt.s32 v28, v27  }
0x9d: {  	v17 =	vsel vm3, v18, v17;
	v18 =	vsel vm3, v26, v19;
	vm6 =	vmand vm13, vm14  }
0x9e: {  	vm10 =	vlt.s32 v16, v31;
	vm4 =	vmor vm5, vm6;
	vm5 =	veq.f32 v23, v22  }
0x9f: {  	vm3 =	vgt.f32 v23, v22;
	vm6 =	vmand vm9, vm10;
	vm5 =	vmand vm5, vm15  }
0xa0: {  	v19 =	vsel vm4, v21, v20;
	vm3 =	vmor vm3, vm5;
	vm5 =	vgt.f32 v25, v24  }
0xa1: {  	v20 =	vsel vm4, v28, v27;
	v21 =	vsel vm3, v23, v22;
	vm4 =	vmor vm5, vm6  }
0xa2: {  	v22 =	vsel vm3, v30, v29;
	vm3 =	vgt.f32 v19, v17;
	vm5 =	vlt.s32 v20, v18  }
0xa3: {  	v23 =	vsel vm4, v25, v24;
	v16 =	vsel vm4, v16, v31;
	vm4 =	veq.f32 v19, v17  }
0xa4: {  	vm4 =	vmand vm4, vm5;
	vm5 =	veq.f32 v23, v21;
	vm11 =	vlt.s32 v16, v22  }
0xa5: {  	vm3 =	vmor vm3, vm4;
	vm4 =	vgt.f32 v23, v21;
	vm5 =	vmand vm5, vm11  }
0xa6: {  	v17 =	vsel vm3, v19, v17;
	vm4 =	vmor vm4, vm5  }
0xa7: {  	v18 =	vsel vm3, v20, v18;
	v19 =	vsel vm4, v23, v21;
	v16 =	vsel vm4, v16, v22  }
0xa8: {  	vm3 =	veq.f32 v19, v17;
	vm4 =	vlt.s32 v16, v18  }
0xa9: {  	vm5 =	vgt.f32 v19, v17;
	vm3 =	vmand vm3, vm4  }
0xaa: {  	_ =	swait.ge [sflag:s11], $0x2000;
	vm3 =	vmor vm5, vm3  }
0xab: {  	[sflag:s11] =	ssyncset.done $0x0;
	v17 =	vsel vm3, v19, v17;
	v16 =	vsel vm3, v16, v18  }
0xac: {  	s31 =	simm.s32 $0x0;
	[sflag:s11] =	ssyncadd.s32 $0xFFFFE000;
	v18 =	vperm.xlane v17, v8;
	v19 =	vperm.xlane v16, v8  }
0xad: {  	v26 =	vld [tilespmem:s31+$0x130]  }
0xae: {  	v27 =	vld [tilespmem:s31+$0x140];
	vm3 =	veq.f32 v18, v17;
	vm4 =	vlt.s32 v19, v16  }
0xaf: {  	vm5 =	vgt.f32 v18, v17;
	vm3 =	vmand vm3, vm4  }
0xb0: {  	vm3 =	vmor vm5, vm3  }
0xb1: {  	v62 =	vimm.f32 $-Inf;
	v29 =	vld [tilespmem:s31+$0x150];
	v17 =	vsel vm3, v18, v17;
	v16 =	vsel vm3, v19, v16  }
0xb2: {  	vm12 =	vgt.f32 v26, v62;
	v18 =	vperm.xlane v17, v9;
	v19 =	vperm.xlane v16, v9  }
0xb3: {  	v43 =	vimm.s32 $0x0;
	v31 =	vld [tilespmem:s31+$0x160];
	v26 =	vsel vm12, v26, v62;
	vm13 =	vgt.f32 v27, v62  }
0xb4: {  	v20 =	vimm.s32 $0x0;
	vm3 =	veq.f32 v18, v17;
	vm4 =	vlt.s32 v19, v16  }
0xb5: {  	v27 =	vsel vm13, v27, v62;
	vm5 =	vgt.f32 v18, v17;
	vm3 =	vmand vm3, vm4  }
0xb6: {  	v22 =	vld [tilespmem:s31+$0x110];
	vm14 =	vgt.f32 v29, v62;
	v35 =	vsel vm12, v20, v20;
	vm3 =	vmor vm5, vm3  }
0xb7: {  	v25 =	vld [tilespmem:s31+$0x120];
	v36 =	vsel vm13, v20, v20;
	v17 =	vsel vm3, v18, v17;
	v16 =	vsel vm3, v19, v16  }
0xb8: {  	v63 =	vld [tilespmem:s31+$0x170];
	vm15 =	vgt.f32 v31, v62;
	v18 =	vperm.xlane v17, v10;
	v19 =	vperm.xlane v16, v10  }
0xb9: {  	s16 =	simm.s32 $0x200;
	v21 =	vld [tilespmem:s31+$0x100];
	v29 =	vsel vm14, v29, v62;
	v38 =	vsel vm14, v20, v20;
	v31 =	vsel vm15, v31, v62  }
0xba: {  	v41 =	vld [tilespmem:s16+$0x140];
	v37 =	vsel vm15, v20, v20;
	vm3 =	veq.f32 v18, v17;
	vm4 =	vlt.s32 v19, v16  }
0xbb: {  	v42 =	vld [tilespmem:s16+$0x160];
	vm5 =	vgt.f32 v18, v17;
	vm3 =	vmand vm3, vm4;
	vm4 =	vgt.f32 v22, v62  }
0xbc: {  	v30 =	vld [tilespmem:s16+$0x110];
	vm3 =	vmor vm5, vm3;
	v22 =	vsel vm4, v22, v62;
	vm5 =	vgt.f32 v25, v62  }
0xbd: {  	v24 =	vld [tilespmem:s16+$0x100];
	v33 =	vsel vm4, v20, v20;
	v18 =	vsel vm3, v18, v17;
	v16 =	vsel vm3, v19, v16  }
0xbe: {  	v39 =	vld [tilespmem:s16+$0x130];
	vm3 =	vgt.f32 v21, v62;
	v25 =	vsel vm5, v25, v62;
	v34 =	vsel vm5, v20, v20  }
0xbf: {  	v28 =	vld [tilespmem:s16+$0x120];
	v21 =	vsel vm3, v21, v62;
	v23 =	vsel vm3, v20, v20;
	vm3 =	vgt.f32 v63, v62  }
0xc0: {  	s17 =	simm.s32 $0x1000;
	v40 =	vld [tilespmem:s16+$0x150];
	v19 =	vperm.xlane v18, v11;
	v17 =	vperm.xlane v16, v11;
	v32 =	vsel vm3, v63, v62  }
.LBB2_14:
0xc1: {  	p0 =	sne.s32 s17, $0x1F800;
	v44 =	vld [tilespmem:s16+$0x170];
	v43 =	vsel vm3, v20, v43  }
0xc2: {  	s16 =	sshra.s32 s17, $0x2;
	vm3 =	vgt.f32 v24, v21;
	vm4 =	vgt.f32 v30, v22;
	v20 =	vadd.s32 $0x1, v20  }
0xc3: {  	v21 =	vsel vm3, v24, v21;
	v23 =	vsel vm3, v20, v23;
	v22 =	vsel vm4, v30, v22;
	v24 =	vld [tilespmem:s16+$0x100]  }
0xc4: {  	vm5 =	vgt.f32 v28, v25;
	vm6 =	vgt.f32 v39, v26;
	vm7 =	vgt.f32 v41, v27;
	v30 =	vld [tilespmem:s16+$0x110]  }
.Ltmp6:
0xc5: {  	v25 =	vsel vm5, v28, v25;
	v26 =	vsel vm6, v39, v26;
	v27 =	vsel vm7, v41, v27;
	v28 =	vld [tilespmem:s16+$0x120];
	(pc) =	sbr.rel @p0 .LBB2_14-.Ltmp6, $4  }
0xc6: {  	vm8 =	vgt.f32 v40, v29;
	vm9 =	vgt.f32 v42, v31;
	v39 =	vld [tilespmem:s16+$0x130];
	vm3 =	vgt.f32 v44, v32  }
0xc7: {  	v29 =	vsel vm8, v40, v29;
	v31 =	vsel vm9, v42, v31;
	v41 =	vld [tilespmem:s16+$0x140];
	v32 =	vsel vm3, v44, v32  }
0xc8: {  	v33 =	vsel vm4, v20, v33;
	v34 =	vsel vm5, v20, v34;
	v35 =	vsel vm6, v20, v35;
	v40 =	vld [tilespmem:s16+$0x150]  }
0xc9: {  	s17 =	sadd.s32 $0x800, s17;
	v36 =	vsel vm7, v20, v36;
	v38 =	vsel vm8, v20, v38;
	v37 =	vsel vm9, v20, v37;
	v42 =	vld [tilespmem:s16+$0x160]  }
0xca: {  	v43 =	vsel vm3, v20, v43  }
0xcb: {  	vm3 =	vgt.f32 v24, v21;
	vm4 =	vgt.f32 v30, v22;
	v20 =	vadd.s32 $0x1, v20  }
0xcc: {  	v21 =	vsel vm3, v24, v21;
	v23 =	vsel vm3, v20, v23;
	v22 =	vsel vm4, v30, v22  }
0xcd: {  	vm3 =	vgt.f32 v28, v25;
	vm5 =	vgt.f32 v39, v26;
	v30 =	vsel vm4, v20, v33  }
0xce: {  	vm6 =	vgt.f32 v41, v27;
	v24 =	vsel vm3, v28, v25;
	v25 =	vsel vm5, v39, v26  }
0xcf: {  	v44 =	vld [tilespmem:s16+$0x170];
	v56 =	vsel vm5, v20, v35;
	v23 =	vshll.u32 v23, $0x7;
	v30 =	vshll.u32 v30, $0x7  }
0xd0: {  	vm4 =	veq.f32 v22, v21;
	v26 =	vsel vm6, v41, v27;
	vm7 =	vgt.f32 v40, v29  }
0xd1: {  	v57 =	vsel vm6, v20, v36;
	v23 =	vor.u32 v0, v23;
	v30 =	vor.u32 v1, v30  }
0xd2: {  	vm13 =	veq.f32 v25, v24;
	vm8 =	vgt.f32 v42, v31;
	v27 =	vsel vm7, v40, v29  }
0xd3: {  	v58 =	vsel vm7, v20, v38;
	v33 =	vshll.u32 v57, $0x7;
	vm5 =	vlt.s32 v30, v23  }
0xd4: {  	vm9 =	vgt.f32 v44, v32;
	v28 =	vsel vm8, v42, v31;
	v31 =	vsel vm3, v20, v34  }
0xd5: {  	v59 =	vsel vm8, v20, v37;
	v34 =	vshll.u32 v58, $0x7;
	v33 =	vor.u32 v4, v33  }
0xd6: {  	vm3 =	vgt.f32 v22, v21;
	vm4 =	vmand vm4, vm5;
	vm5 =	vgt.f32 v25, v24  }
0xd7: {  	v29 =	vsel vm9, v44, v32;
	v20 =	vsel vm9, v20, v43;
	v31 =	vshll.u32 v31, $0x7  }
0xd8: {  	v32 =	vshll.u32 v56, $0x7;
	v35 =	vshll.u32 v59, $0x7;
	v34 =	vor.u32 v5, v34  }
0xd9: {  	vm3 =	vmor vm3, vm4;
	v31 =	vor.u32 v2, v31;
	v32 =	vor.u32 v3, v32  }
0xda: {  	v35 =	vor.u32 v6, v35;
	v20 =	vshll.u32 v20, $0x7;
	v21 =	vsel vm3, v22, v21  }
0xdb: {  	v22 =	vsel vm3, v30, v23;
	vm15 =	vlt.s32 v34, v33;
	vm14 =	vlt.s32 v32, v31  }
0xdc: {  	vm9 =	veq.f32 v29, v28;
	v20 =	vor.u32 v7, v20;
	vm6 =	vmand vm13, vm14  }
0xdd: {  	vm10 =	vlt.s32 v20, v35;
	vm4 =	vmor vm5, vm6;
	vm5 =	veq.f32 v27, v26  }
0xde: {  	vm3 =	vgt.f32 v27, v26;
	vm6 =	vmand vm9, vm10;
	vm5 =	vmand vm5, vm15  }
0xdf: {  	v23 =	vsel vm4, v25, v24;
	vm3 =	vmor vm3, vm5;
	vm5 =	vgt.f32 v29, v28  }
0xe0: {  	v24 =	vsel vm4, v32, v31;
	v25 =	vsel vm3, v27, v26;
	vm4 =	vmor vm5, vm6  }
0xe1: {  	v26 =	vsel vm3, v34, v33;
	vm3 =	vgt.f32 v23, v21;
	vm5 =	vlt.s32 v24, v22  }
0xe2: {  	v27 =	vsel vm4, v29, v28;
	v20 =	vsel vm4, v20, v35;
	vm4 =	veq.f32 v23, v21  }
0xe3: {  	vm4 =	vmand vm4, vm5;
	vm5 =	veq.f32 v27, v25;
	vm11 =	vlt.s32 v20, v26  }
0xe4: {  	vm3 =	vmor vm3, vm4;
	vm4 =	vgt.f32 v27, v25;
	vm5 =	vmand vm5, vm11  }
0xe5: {  	v21 =	vsel vm3, v23, v21;
	vm4 =	vmor vm4, vm5  }
0xe6: {  	v22 =	vsel vm3, v24, v22;
	v23 =	vsel vm4, v27, v25;
	v20 =	vsel vm4, v20, v26  }
0xe7: {  	vm3 =	veq.f32 v23, v21;
	vm4 =	vlt.s32 v20, v22  }
0xe8: {  	_ =	swait.ge [sflag:s12], $0x2000;
	vm5 =	vgt.f32 v23, v21;
	vm3 =	vmand vm3, vm4  }
0xe9: {  	[sflag:s12] =	ssyncset.done $0x0;
	vm3 =	vmor vm5, vm3  }
0xea: {  	s31 =	simm.s32 $0x0;
	[sflag:s12] =	ssyncadd.s32 $0xFFFFE000;
	v21 =	vsel vm3, v23, v21;
	v20 =	vsel vm3, v20, v22  }
0xeb: {  	v60 =	vld [tilespmem:s31+$0x1D0];
	v22 =	vperm.xlane v21, v8;
	v23 =	vperm.xlane v20, v8  }
0xec: {  	v62 =	vld [tilespmem:s31+$0x1E0]  }
0xed: {  	v30 =	vld [tilespmem:s31+$0x1B0];
	vm3 =	veq.f32 v22, v21;
	vm4 =	vlt.s32 v23, v20  }
0xee: {  	vm5 =	vgt.f32 v22, v21;
	vm3 =	vmand vm3, vm4  }
0xef: {  	vm3 =	vmor vm5, vm3  }
0xf0: {  	v61 =	vimm.f32 $-Inf;
	v31 =	vld [tilespmem:s31+$0x1C0];
	v21 =	vsel vm3, v22, v21;
	v20 =	vsel vm3, v23, v20  }
0xf1: {  	v47 =	vimm.s32 $0x0;
	v22 =	vperm.xlane v21, v9;
	v23 =	vperm.xlane v20, v9  }
0xf2: {  	vm14 =	vgt.f32 v60, v61;
	vm15 =	vgt.f32 v62, v61;
	vm12 =	vgt.f32 v30, v61  }
0xf3: {  	v30 =	vsel vm12, v30, v61;
	vm3 =	veq.f32 v22, v21;
	vm4 =	vlt.s32 v23, v20  }
0xf4: {  	v33 =	vsel vm14, v60, v61;
	vm5 =	vgt.f32 v22, v21;
	vm3 =	vmand vm3, vm4  }
0xf5: {  	v35 =	vsel vm15, v62, v61;
	vm13 =	vgt.f32 v31, v61;
	v26 =	vld [tilespmem:s31+$0x190];
	vm3 =	vmor vm5, vm3  }
0xf6: {  	v29 =	vld [tilespmem:s31+$0x1A0];
	v24 =	vimm.s32 $0x0;
	v21 =	vsel vm3, v22, v21;
	v20 =	vsel vm3, v23, v20  }
0xf7: {  	v63 =	vld [tilespmem:s31+$0x1F0];
	v31 =	vsel vm13, v31, v61;
	v22 =	vperm.xlane v21, v10;
	v23 =	vperm.xlane v20, v10  }
0xf8: {  	s16 =	simm.s32 $0x200;
	v25 =	vld [tilespmem:s31+$0x180];
	v39 =	vsel vm12, v24, v24;
	v40 =	vsel vm13, v24, v24;
	v42 =	vsel vm14, v24, v24  }
0xf9: {  	v45 =	vld [tilespmem:s16+$0x1C0];
	v41 =	vsel vm15, v24, v24;
	vm3 =	veq.f32 v22, v21;
	vm4 =	vlt.s32 v23, v20  }
0xfa: {  	v46 =	vld [tilespmem:s16+$0x1E0];
	vm5 =	vgt.f32 v22, v21;
	vm3 =	vmand vm3, vm4;
	vm4 =	vgt.f32 v26, v61  }
0xfb: {  	v34 =	vld [tilespmem:s16+$0x190];
	vm3 =	vmor vm5, vm3;
	v26 =	vsel vm4, v26, v61;
	vm5 =	vgt.f32 v29, v61  }
0xfc: {  	v28 =	vld [tilespmem:s16+$0x180];
	v37 =	vsel vm4, v24, v24;
	v22 =	vsel vm3, v22, v21;
	v20 =	vsel vm3, v23, v20  }
0xfd: {  	v43 =	vld [tilespmem:s16+$0x1B0];
	vm3 =	vgt.f32 v25, v61;
	v29 =	vsel vm5, v29, v61;
	v38 =	vsel vm5, v24, v24  }
0xfe: {  	v32 =	vld [tilespmem:s16+$0x1A0];
	v25 =	vsel vm3, v25, v61;
	v27 =	vsel vm3, v24, v24;
	vm3 =	vgt.f32 v63, v61  }
0xff: {  	s17 =	simm.s32 $0x1000;
	v44 =	vld [tilespmem:s16+$0x1D0];
	v23 =	vperm.xlane v22, v11;
	v21 =	vperm.xlane v20, v11;
	v36 =	vsel vm3, v63, v61  }
.LBB2_16:
0x100: {  	p0 =	sne.s32 s17, $0x1F800;
	v48 =	vld [tilespmem:s16+$0x1F0];
	v47 =	vsel vm3, v24, v47  }
0x101: {  	s16 =	sshra.s32 s17, $0x2;
	vm3 =	vgt.f32 v28, v25;
	vm4 =	vgt.f32 v34, v26;
	v24 =	vadd.s32 $0x1, v24  }
0x102: {  	v25 =	vsel vm3, v28, v25;
	v27 =	vsel vm3, v24, v27;
	v26 =	vsel vm4, v34, v26;
	v28 =	vld [tilespmem:s16+$0x180]  }
0x103: {  	vm5 =	vgt.f32 v32, v29;
	vm6 =	vgt.f32 v43, v30;
	vm7 =	vgt.f32 v45, v31;
	v34 =	vld [tilespmem:s16+$0x190]  }
.Ltmp7:
0x104: {  	v29 =	vsel vm5, v32, v29;
	v30 =	vsel vm6, v43, v30;
	v31 =	vsel vm7, v45, v31;
	v32 =	vld [tilespmem:s16+$0x1A0];
	(pc) =	sbr.rel @p0 .LBB2_16-.Ltmp7, $4  }
0x105: {  	vm8 =	vgt.f32 v44, v33;
	vm9 =	vgt.f32 v46, v35;
	v43 =	vld [tilespmem:s16+$0x1B0];
	vm3 =	vgt.f32 v48, v36  }
0x106: {  	v33 =	vsel vm8, v44, v33;
	v35 =	vsel vm9, v46, v35;
	v45 =	vld [tilespmem:s16+$0x1C0];
	v36 =	vsel vm3, v48, v36  }
0x107: {  	v37 =	vsel vm4, v24, v37;
	v38 =	vsel vm5, v24, v38;
	v39 =	vsel vm6, v24, v39;
	v44 =	vld [tilespmem:s16+$0x1D0]  }
0x108: {  	s17 =	sadd.s32 $0x800, s17;
	v40 =	vsel vm7, v24, v40;
	v42 =	vsel vm8, v24, v42;
	v41 =	vsel vm9, v24, v41;
	v46 =	vld [tilespmem:s16+$0x1E0]  }
0x109: {  	v47 =	vsel vm3, v24, v47  }
0x10a: {  	vm3 =	vgt.f32 v28, v25;
	vm4 =	vgt.f32 v34, v26;
	v53 =	vadd.s32 $0x1, v24  }
0x10b: {  	v25 =	vsel vm3, v28, v25;
	v27 =	vsel vm3, v53, v27;
	v26 =	vsel vm4, v34, v26  }
0x10c: {  	vm3 =	vgt.f32 v32, v29;
	vm5 =	vgt.f32 v43, v30;
	v60 =	vsel vm4, v53, v37  }
0x10d: {  	vm6 =	vgt.f32 v45, v31;
	v54 =	vsel vm3, v32, v29;
	v55 =	vsel vm5, v43, v30  }
0x10e: {  	v61 =	vsel vm3, v53, v38;
	v62 =	vsel vm5, v53, v39;
	v27 =	vshll.u32 v27, $0x7  }
0x10f: {  	v48 =	vld [tilespmem:s16+$0x1F0];
	v34 =	vshll.u32 v60, $0x7;
	vm3 =	vgt.f32 v26, v25;
	vm11 =	veq.f32 v26, v25  }
0x110: {  	v56 =	vsel vm6, v45, v31;
	vm7 =	vgt.f32 v44, v33;
	v63 =	vsel vm6, v53, v40  }
0x111: {  	v27 =	vor.u32 v0, v27;
	v34 =	vor.u32 v1, v34;
	vm13 =	veq.f32 v55, v54  }
0x112: {  	vm15 =	vgt.f32 v55, v54;
	vm8 =	vgt.f32 v46, v35;
	v57 =	vsel vm7, v44, v33  }
0x113: {  	v42 =	vsel vm7, v53, v42;
	v37 =	vshll.u32 v63, $0x7;
	vm12 =	vlt.s32 v34, v27  }
0x114: {  	vm9 =	vgt.f32 v48, v36;
	v58 =	vsel vm8, v46, v35;
	v43 =	vsel vm8, v53, v41  }
0x115: {  	v35 =	vshll.u32 v61, $0x7;
	v38 =	vshll.u32 v42, $0x7;
	v37 =	vor.u32 v4, v37  }
0x116: {  	vm4 =	vmand vm11, vm12;
	vm10 =	veq.f32 v57, v56;
	v59 =	vsel vm9, v48, v36  }
0x117: {  	v24 =	vsel vm9, v53, v47;
	v36 =	vshll.u32 v62, $0x7;
	v35 =	vor.u32 v2, v35  }
0x118: {  	v39 =	vshll.u32 v43, $0x7;
	v38 =	vor.u32 v5, v38;
	vm3 =	vmor vm3, vm4  }
0x119: {  	v36 =	vor.u32 v3, v36;
	v39 =	vor.u32 v6, v39;
	v24 =	vshll.u32 v24, $0x7  }
0x11a: {  	v25 =	vsel vm3, v26, v25;
	v44 =	vsel vm3, v34, v27;
	vm3 =	vgt.f32 v57, v56  }
0x11b: {  	vm11 =	vlt.s32 v38, v37;
	vm12 =	veq.f32 v59, v58;
	vm14 =	vlt.s32 v36, v35  }
0x11c: {  	v24 =	vor.u32 v7, v24;
	vm5 =	vmand vm10, vm11;
	vm6 =	vmand vm13, vm14  }
0x11d: {  	vm13 =	vlt.s32 v24, v39;
	vm3 =	vmor vm3, vm5;
	vm14 =	vgt.f32 v59, v58  }
0x11e: {  	vm9 =	vmor vm15, vm6;
	vm6 =	vmand vm12, vm13;
	v47 =	vsel vm3, v57, v56  }
0x11f: {  	v48 =	vsel vm3, v38, v37;
	v45 =	vsel vm9, v55, v54;
	vm15 =	vmor vm14, vm6  }
0x120: {  	v46 =	vsel vm9, v36, v35;
	v49 =	vsel vm15, v59, v58;
	v24 =	vsel vm15, v24, v39  }
0x121: {  	vm3 =	vgt.f32 v45, v25;
	vm8 =	veq.f32 v45, v25;
	vm9 =	vlt.s32 v46, v44  }
0x122: {  	vm4 =	vmand vm8, vm9;
	vm10 =	veq.f32 v49, v47;
	vm11 =	vlt.s32 v24, v48  }
0x123: {  	vm12 =	vgt.f32 v49, v47;
	vm3 =	vmor vm3, vm4;
	vm5 =	vmand vm10, vm11  }
0x124: {  	v25 =	vsel vm3, v45, v25;
	vm4 =	vmor vm12, vm5  }
0x125: {  	v26 =	vsel vm3, v46, v44;
	v50 =	vsel vm4, v49, v47;
	v24 =	vsel vm4, v24, v48  }
0x126: {  	vm3 =	veq.f32 v50, v25;
	vm4 =	vlt.s32 v24, v26  }
0x127: {  	vm13 =	vgt.f32 v50, v25;
	vm3 =	vmand vm3, vm4  }
0x128: {  	vm3 =	vmor vm13, vm3  }
0x129: {  	v25 =	vsel vm3, v50, v25;
	v24 =	vsel vm3, v24, v26  }
0x12a: {  	v51 =	vperm.xlane v25, v8;
	v52 =	vperm.xlane v24, v8;
	_ =	sdelay $0x1  }
0x12b: {  	vm3 =	veq.f32 v51, v25;
	vm14 =	vlt.s32 v52, v24  }
0x12c: {  	vm15 =	vgt.f32 v51, v25;
	vm3 =	vmand vm3, vm14  }
0x12d: {  	vm3 =	vmor vm15, vm3  }
0x12e: {  	vm8 =	veq.f32 v15, v14;
	v25 =	vsel vm3, v51, v25;
	v24 =	vsel vm3, v52, v24  }
0x12f: {  	vm9 =	vlt.s32 v13, v12;
	v26 =	vperm.xlane v25, v9;
	v27 =	vperm.xlane v24, v9  }
0x130: {  	vm4 =	vmand vm8, vm9  }
0x131: {  	vm3 =	vgt.f32 v15, v14;
	vm10 =	veq.f32 v26, v25;
	vm11 =	vlt.s32 v27, v24  }
0x132: {  	vm3 =	vmor vm3, vm4;
	vm12 =	vgt.f32 v26, v25;
	vm5 =	vmand vm10, vm11  }
0x133: {  	v53 =	vsel vm3, v13, v12;
	vm3 =	vmor vm12, vm5  }
0x134: {  	v54 =	vsel vm3, v26, v25;
	v55 =	vsel vm3, v27, v24  }
0x135: {  	v56 =	vperm.xlane v54, v10;
	v24 =	vperm.xlane v55, v10  }
0x136: {  	vm15 =	vlt.s32 v17, v16;
	v12 =	vadd.s32 $0xFFFFFFFF, v53;
	vm10 =	vgt.f32 v19, v18  }
0x137: {  	vm11 =	veq.f32 v23, v22;
	vm13 =	veq.f32 v56, v54;
	vm14 =	vlt.s32 v24, v55  }
0x138: {  	vm3 =	vmmov $0x1;
	vm9 =	vgt.f32 v56, v54;
	vm4 =	vmand vm13, vm14  }
0x139: {  	v12 =	vnsel vm3, $0x0, v12;
	vm3 =	veq.f32 v19, v18;
	vm4 =	vmor vm9, vm4  }
0x13a: {  	vm3 =	vmand vm3, vm15;
	v13 =	vsel vm4, v56, v54;
	v14 =	vsel vm4, v24, v55  }
0x13b: {  	vm3 =	vmor vm10, vm3;
	v58 =	vperm.xlane v13, v11;
	v59 =	vperm.xlane v14, v11  }
0x13c: {  	vm12 =	vlt.s32 v21, v20;
	v57 =	vsel vm3, v17, v16;
	vm3 =	vgt.f32 v23, v22  }
0x13d: {  	vm4 =	vmand vm11, vm12;
	vm13 =	veq.f32 v58, v13;
	vm14 =	vlt.s32 v59, v14  }
0x13e: {  	vm3 =	vmor vm3, vm4;
	vm15 =	vgt.f32 v58, v13;
	vm5 =	vmand vm13, vm14  }
0x13f: {  	v60 =	vadd.s32 $0xFFFFFFFF, v57;
	v61 =	vsel vm3, v21, v20;
	vm3 =	vmor vm15, vm5  }
0x140: {  	v12 =	vsel vm0, v12, v60;
	v62 =	vadd.s32 $0xFFFFFFFF, v61;
	v14 =	vsel vm3, v59, v14  }
0x141: {  	s15 =	sadd.s32 $0x1, s15;
	v12 =	vsel vm1, v12, v62;
	v63 =	vadd.s32 $0xFFFFFFFF, v14  }
0x142: {  	p0 =	sne.s32 s15, s8;
	v12 =	vsel vm2, v12, v63  }
.Ltmp8:
0x143: {  	[tilespmem:$0x8000] =	vst v12;
	(pc) =	sbr.rel @p0 .LBB2_1-.Ltmp8, $4  }
0x144: {  	[hbm4b:s7+s0] =	stream.linear.scatter [tilespmem:s13], [sflag:$0x5], $0x80, $0x38;
	[tilespmem:$0x8080] =	vst v63  }
0x145: {  	_ =	swait.ge [sflag:s14], $0x80  }
0x146: {  	[sflag:s14] =	ssyncset.done $0x0  }
0x147: {  	[sflag:s14] =	ssyncadd.s32 $0xFFFFFF80  }
0x148: {  	_ =	sfence.sel $0x180000  }
0x149: {  	[bflag:$0x0] =	sbarrier.arrive $0xFFFF  }
0x14a: {  	p0 =	sne.s32 s2, $0x0;
	_ =	strace $0x90000047  }
0x14b: {  	s0 =	sadd.s32 @!p0 $0x100000, s1;
	[bflag:$0x2] =	sbarrier.arrive $0xFFFF  }
0x14c: {  	[sflag:s0] =	ssyncadd.tile.s32 @!p0 $0x1;
	_ =	shalt  }
.Lfunc_end2:
_tile_overlayer_lowered:
.L_overlay_start_2:
0x14d: {  	(tag) =	ssettag $0x2  }
0x14e: {  	s0 =	rddreg [dreg:$0x0];
	s2 =	stileid.u32  }
0x14f: {  	s1 =	rddreg [dreg:$0x1];
	p0 =	sne.s32 s2, $0x0  }
0x150: {  	s3 =	rddreg [dreg:$0x2];
	[bflag:$0x3] =	sbarrier.arrive $0xFFFF;
	s2 =	simm.s32 @!p0 $0x1C05  }
0x151: {  	[timem:s3], [sflag:s2] =	dma.local @!p0 [hbm:s0], s1  }
0x152: {  	s0 =	simm.s32 @!p0 $0x5  }
0x153: {  	_ =	swait.ge @!p0 [sflag:s0], s1  }
0x154: {  	s1 =	ssub.s32 @!p0 $0x0, s1;
	[sflag:s0] =	ssyncset.done @!p0 $0x0  }
0x155: {  	[sflag:s0] =	ssyncadd.s32 @!p0 s1  }
0x156: {  	[bflag:$0x3] =	sbarrier.arrive $0xFFFF  }
0x157: {  	_ =	shalt  }

</sc_bundles>
